<compile_context>
chip_gen: v7x
topology: tpu7x:2x2x1
jax: 0.10.2.dev20260603
libtpu: 0.0.44.dev20260713+nightly
codegen_flags: <defaults>
</compile_context>

<pallas_src>
import functools

import jax
import jax.numpy as jnp
from jax import lax
from jax.experimental import pallas as pl
from jax.experimental.pallas import tpu as pltpu
from jax.experimental.pallas import tpu_sc as plsc

N_NODES = 10000
N_EDGES = 160000
NODE_DIM = 32
EDGE_DIM = 16
H1, H2 = 64, 128
BN_EPS = 1e-5

NC, NS = 2, 16
NW = NC * NS
GROUPS = 8
GROUP = N_EDGES // (NW * GROUPS)
N_PAD = 10240
ROWS_PER_TILE = N_PAD // NS
CNT_W = 16


@functools.lru_cache(maxsize=None)
def _sc_mesh():
    return plsc.VectorSubcoreMesh(
        core_axis_name="c", subcore_axis_name="s",
        num_cores=NC, num_subcores=NS)


def _gather_body(ns_hbm, src_hbm, out_hbm, idx_v, rows0, rows1,
                 gsem0, gsem1, wsem0, wsem1):
    c = lax.axis_index("c")
    s = lax.axis_index("s")
    wid = c * NS + s
    ebase = wid * (GROUPS * GROUP)
    pltpu.sync_copy(src_hbm.at[wid], idx_v)
    rows = (rows0, rows1)
    gsem = (gsem0, gsem1)
    wsem = (wsem0, wsem1)
    gcp = [None] * GROUPS
    wcp = [None] * GROUPS
    gcp[0] = pltpu.async_copy(ns_hbm.at[idx_v.at[0]], rows0, gsem0)
    for g in range(GROUPS):
        b = g % 2
        if g + 1 < GROUPS:
            b2 = (g + 1) % 2
            if g >= 1:
                wcp[g - 1].wait()
            gcp[g + 1] = pltpu.async_copy(ns_hbm.at[idx_v.at[g + 1]],
                                          rows[b2], gsem[b2])
        gcp[g].wait()
        wcp[g] = pltpu.async_copy(
            rows[b],
            out_hbm.at[pl.ds(ebase + g * GROUP, GROUP), pl.ds(0, NODE_DIM)],
            wsem[b])
    wcp[GROUPS - 2].wait()
    wcp[GROUPS - 1].wait()


@functools.lru_cache(maxsize=None)
def _gather_kernel():
    return pl.kernel(
        _gather_body,
        out_type=jax.ShapeDtypeStruct((N_EDGES, 128), jnp.float32),
        mesh=_sc_mesh(),
        compiler_params=pltpu.CompilerParams(use_tc_tiling_on_sc=False),
        scratch_types=[
            pltpu.VMEM((GROUPS, GROUP), jnp.int32),
            pltpu.VMEM((GROUP, NODE_DIM), jnp.float32),
            pltpu.VMEM((GROUP, NODE_DIM), jnp.float32),
            pltpu.SemaphoreType.DMA,
            pltpu.SemaphoreType.DMA,
            pltpu.SemaphoreType.DMA,
            pltpu.SemaphoreType.DMA,
        ],
    )


BLK = 3200


def _mlp_body(e_ref, x_ref, w1_ref, b1_ref, w2_ref, b2_ref, w3_ref, b3_ref,
              r_ref, s_ref, o_ref):
    h = jnp.dot(e_ref[...], w1_ref[...], preferred_element_type=jnp.float32)
    h = jnp.maximum(h + b1_ref[...], 0.0)
    h = jnp.dot(h, w2_ref[...], preferred_element_type=jnp.float32)
    h = jnp.maximum(h + b2_ref[...], 0.0)
    z = jnp.dot(h.astype(jnp.bfloat16), w3_ref[...],
                preferred_element_type=jnp.float32).astype(jnp.bfloat16)
    a = jnp.maximum(z + b3_ref[...], jnp.bfloat16(0))
    xrep = jnp.dot(x_ref[:, 0:NODE_DIM].astype(jnp.bfloat16), r_ref[...],
                   preferred_element_type=jnp.float32).astype(jnp.bfloat16)
    o_ref[:, 0:NODE_DIM] = jnp.dot(xrep * a, s_ref[...],
                                   preferred_element_type=jnp.float32)


def _run_mlp(edge, x_i, w1, b1, w2, b2, w3, b3):
    nd2 = NODE_DIM * NODE_DIM
    rk = lax.broadcasted_iota(jnp.int32, (NODE_DIM, nd2), 1)
    rd = lax.broadcasted_iota(jnp.int32, (NODE_DIM, nd2), 0)
    rm = (rk // NODE_DIM == rd).astype(jnp.bfloat16)
    sk = lax.broadcasted_iota(jnp.int32, (nd2, NODE_DIM), 0)
    sf = lax.broadcasted_iota(jnp.int32, (nd2, NODE_DIM), 1)
    sm = (sk % NODE_DIM == sf).astype(jnp.bfloat16)
    grid = (N_EDGES // BLK,)
    full = lambda shape: pl.BlockSpec(shape, lambda i: (0, 0))
    return pl.pallas_call(
        _mlp_body,
        grid=grid,
        in_specs=[
            pl.BlockSpec((BLK, EDGE_DIM), lambda i: (i, 0)),
            pl.BlockSpec((BLK, 128), lambda i: (i, 0)),
            full((EDGE_DIM, H1)),
            full((1, H1)),
            full((H1, H2)),
            full((1, H2)),
            full((H2, NODE_DIM * NODE_DIM)),
            full((1, NODE_DIM * NODE_DIM)),
            full((NODE_DIM, NODE_DIM * NODE_DIM)),
            full((NODE_DIM * NODE_DIM, NODE_DIM)),
        ],
        out_specs=pl.BlockSpec((BLK, 128), lambda i: (i, 0)),
        out_shape=jax.ShapeDtypeStruct((N_EDGES, 128), jnp.float32),
    )(edge, x_i, w1, b1, w2, b2, w3.astype(jnp.bfloat16),
      b3.astype(jnp.bfloat16), rm, sm)


def _scatter_body(msg_hbm, dst_hbm, z32_hbm, z16_hbm, ones_hbm,
                  sum_hbm, cnt_hbm,
                  idx_v, msg0, msg1, ones_v, acc_s, cnt_s, rsem0, rsem1):
    c = lax.axis_index("c")
    s = lax.axis_index("s")
    wid = c * NS + s
    ebase = wid * (GROUPS * GROUP)
    row0 = s * ROWS_PER_TILE
    pltpu.sync_copy(z32_hbm, acc_s.at[pl.ds(row0, ROWS_PER_TILE)])
    pltpu.sync_copy(z16_hbm, cnt_s.at[pl.ds(row0, ROWS_PER_TILE)])
    pltpu.sync_copy(ones_hbm, ones_v)
    pltpu.sync_copy(dst_hbm.at[wid], idx_v)
    plsc.subcore_barrier()
    msg = (msg0, msg1)
    rsem = (rsem0, rsem1)
    rcp = [None] * GROUPS
    rcp[0] = pltpu.async_copy(
        msg_hbm.at[pl.ds(ebase, GROUP), pl.ds(0, NODE_DIM)], msg0, rsem0)
    for g in range(GROUPS):
        b = g % 2
        if g + 1 < GROUPS:
            b2 = (g + 1) % 2
            rcp[g + 1] = pltpu.async_copy(
                msg_hbm.at[pl.ds(ebase + (g + 1) * GROUP, GROUP),
                           pl.ds(0, NODE_DIM)],
                msg[b2], rsem[b2])
        rcp[g].wait()
        pltpu.sync_copy(msg[b], acc_s.at[idx_v.at[g]], add=True)
        pltpu.sync_copy(ones_v, cnt_s.at[idx_v.at[g]], add=True)
    plsc.subcore_barrier()
    out0 = c * N_PAD + row0
    pltpu.sync_copy(acc_s.at[pl.ds(row0, ROWS_PER_TILE)],
                    sum_hbm.at[pl.ds(out0, ROWS_PER_TILE)])
    pltpu.sync_copy(cnt_s.at[pl.ds(row0, ROWS_PER_TILE)],
                    cnt_hbm.at[pl.ds(out0, ROWS_PER_TILE)])


@functools.lru_cache(maxsize=None)
def _scatter_kernel():
    return pl.kernel(
        _scatter_body,
        out_type=(
            jax.ShapeDtypeStruct((NC * N_PAD, NODE_DIM), jnp.float32),
            jax.ShapeDtypeStruct((NC * N_PAD, CNT_W), jnp.float32),
        ),
        mesh=_sc_mesh(),
        compiler_params=pltpu.CompilerParams(use_tc_tiling_on_sc=False),
        scratch_types=[
            pltpu.VMEM((GROUPS, GROUP), jnp.int32),
            pltpu.VMEM((GROUP, NODE_DIM), jnp.float32),
            pltpu.VMEM((GROUP, NODE_DIM), jnp.float32),
            pltpu.VMEM((GROUP, CNT_W), jnp.float32),
            pltpu.VMEM_SHARED((N_PAD, NODE_DIM), jnp.float32),
            pltpu.VMEM_SHARED((N_PAD, CNT_W), jnp.float32),
            pltpu.SemaphoreType.DMA,
            pltpu.SemaphoreType.DMA,
        ],
    )


def _fin_body(sum_ref, cnt_ref, bias_ref, o_ref):
    total = sum_ref[0, :N_NODES, :] + sum_ref[1, :N_NODES, :]
    cnt = cnt_ref[0, :N_NODES, 0:1] + cnt_ref[1, :N_NODES, 0:1]
    o_ref[...] = total / jnp.maximum(cnt, 1.0) + bias_ref[...]


def _finalize(sums, cnts, bias2d):
    return pl.pallas_call(
        _fin_body,
        in_specs=[
            pl.BlockSpec((NC, N_PAD, NODE_DIM), lambda: (0, 0, 0)),
            pl.BlockSpec((NC, N_PAD, CNT_W), lambda: (0, 0, 0)),
            pl.BlockSpec((1, NODE_DIM), lambda: (0, 0)),
        ],
        out_specs=pl.BlockSpec((N_NODES, NODE_DIM), lambda: (0, 0)),
        out_shape=jax.ShapeDtypeStruct((N_NODES, NODE_DIM), jnp.float32),
    )(sums, cnts, bias2d)


def kernel(node_states, edge_index, edge, W1, g1, b1, W2, g2, b2, W3, g3, b3,
           bias):
    inv = 1.0 / jnp.sqrt(1.0 + BN_EPS)
    w1 = (W1 * (g1 * inv)[:, None]).T
    w2 = (W2 * (g2 * inv)[:, None]).T
    w3 = (W3 * (g3 * inv)[:, None]).T
    src = edge_index[:, 0].reshape(NW, GROUPS, GROUP)
    dst = edge_index[:, 1].reshape(NW, GROUPS, GROUP)

    x_i = _gather_kernel()(node_states, src)
    msgs = _run_mlp(edge, x_i, w1, b1.reshape(1, H1), w2, b2.reshape(1, H2),
                    w3, b3.reshape(1, NODE_DIM * NODE_DIM))
    z32 = jnp.zeros((ROWS_PER_TILE, NODE_DIM), jnp.float32)
    z16 = jnp.zeros((ROWS_PER_TILE, CNT_W), jnp.float32)
    ones = jnp.ones((GROUP, CNT_W), jnp.float32)
    sums, cnts = _scatter_kernel()(msgs, dst, z32, z16, ones)
    return _finalize(sums.reshape(NC, N_PAD, NODE_DIM),
                     cnts.reshape(NC, N_PAD, CNT_W), bias.reshape(1, NODE_DIM))

# --- scband reference (transcript-rebuilt; emitter-appended) ---
"""Pipeline reference for scband-message-passing-55405078118490 (READ-ONLY COPY).

The authoritative reference and input builder live on the scoring server;
editing this copy changes nothing except your own understanding.
"""

import jax, jax.numpy as jnp
import numpy as np

N_NODES = 10000
N_EDGES = 160000
NODE_DIM = 32
EDGE_DIM = 16
H1, H2 = 64, 128
BN_EPS = 1e-5


def setup_inputs(seed: int = 0) -> dict:
    key = jax.random.key(seed)
    ks = jax.random.split(key, 16)
    node_states = jax.random.normal(ks[0], (N_NODES, NODE_DIM), dtype=jnp.float32)
    edge_index = jax.random.randint(ks[1], (N_EDGES, 2), 0, N_NODES, dtype=jnp.int32)
    edge = jax.random.normal(ks[2], (N_EDGES, EDGE_DIM), dtype=jnp.float32)
    # MlpBn: LinearBn(16->64, relu), LinearBn(64->128, relu), LinearBn(128->1024, relu)
    W1 = jax.random.normal(ks[3], (H1, EDGE_DIM), dtype=jnp.float32) * (1.0 / np.sqrt(EDGE_DIM))
    g1 = jnp.ones((H1,), dtype=jnp.float32)
    b1 = jnp.zeros((H1,), dtype=jnp.float32)
    W2 = jax.random.normal(ks[4], (H2, H1), dtype=jnp.float32) * (1.0 / np.sqrt(H1))
    g2 = jnp.ones((H2,), dtype=jnp.float32)
    b2 = jnp.zeros((H2,), dtype=jnp.float32)
    W3 = jax.random.normal(ks[5], (NODE_DIM * NODE_DIM, H2), dtype=jnp.float32) * (1.0 / np.sqrt(H2))
    g3 = jnp.ones((NODE_DIM * NODE_DIM,), dtype=jnp.float32)
    b3 = jnp.zeros((NODE_DIM * NODE_DIM,), dtype=jnp.float32)
    bias = jax.random.uniform(ks[6], (NODE_DIM,), dtype=jnp.float32,
                              minval=-1.0 / np.sqrt(NODE_DIM), maxval=1.0 / np.sqrt(NODE_DIM))
    return {
        "node_states": node_states,
        "edge_index": edge_index,
        "edge": edge,
        "W1": W1, "g1": g1, "b1": b1,
        "W2": W2, "g2": g2, "b2": b2,
        "W3": W3, "g3": g3, "b3": b3,
        "bias": bias,
    }


def _linear_bn_relu(x, W, gamma, beta):
    # nn.Linear(bias=False) then BatchNorm1d in inference mode with
    # fresh running stats (mean=0, var=1), then relu.
    h = x @ W.T
    h = h * (gamma / jnp.sqrt(1.0 + BN_EPS)) + beta
    return jax.nn.relu(h)


def reference(node_states, edge_index, edge, W1, g1, b1, W2, g2, b2, W3, g3, b3, bias):
    # _pre_encode_edges (one_hot branch): MlpBn(edge) -> [E, node_dim, node_dim]
    a = _linear_bn_relu(edge, W1, g1, b1)
    a = _linear_bn_relu(a, W2, g2, b2)
    a = _linear_bn_relu(a, W3, g3, b3)
    a_in = a.reshape(-1, NODE_DIM, NODE_DIM)
    # message_pass
    ei = edge_index.T  # [2, E]
    src = ei[0]
    dst = ei[1]
    x_i = jnp.take(node_states, src, axis=0)  # gather [E, node_dim]
    # matmul(x_i.view(-1,1,d), a_in).view(-1,d)
    message = jnp.einsum("ed,edf->ef", x_i, a_in)
    # scatter_('mean', ...) with dim_size=num_node
    summed = jax.ops.segment_sum(message, dst, num_segments=N_NODES)
    count = jax.ops.segment_sum(jnp.ones((message.shape[0],), dtype=jnp.float32), dst,
                                num_segments=N_NODES)
    mean = summed / jnp.clip(count, 1.0, None)[:, None]
    return mean + bias

if __name__ == "__main__":
    import jax
    _d = setup_inputs()
    print(jax.jit(kernel)(*tuple(_d.values())))

</pallas_src>

<mosaic_0001>
#map = affine_map<(d0, d1) -> (0, 0)>
#map1 = affine_map<(d0, d1) -> (0, 0, 0)>
module attributes {stable_mosaic.version = 14 : i64} {
  func.func @_gather_body(%arg0: i32, %arg1: i32, %arg2: memref<10000x32xf32, #tpu.memory_space<hbm>>, %arg3: memref<32x8x625xi32, #tpu.memory_space<hbm>>, %arg4: memref<160000x128xf32, #tpu.memory_space<hbm>>, %arg5: memref<8x625xi32, #tpu.memory_space<vmem>>, %arg6: memref<625x32xf32, #tpu.memory_space<vmem>>, %arg7: memref<625x32xf32, #tpu.memory_space<vmem>>, %arg8: memref<!tpu.dma_semaphore, #tpu.memory_space<semaphore_mem>>, %arg9: memref<!tpu.dma_semaphore, #tpu.memory_space<semaphore_mem>>, %arg10: memref<!tpu.dma_semaphore, #tpu.memory_space<semaphore_mem>>, %arg11: memref<!tpu.dma_semaphore, #tpu.memory_space<semaphore_mem>>) attributes {dimension_semantics = [#tpu.dimension_semantics<core_parallel>, #tpu.dimension_semantics<subcore_parallel>], iteration_bounds = array<i64: 2, 16>, scalar_prefetch = 0 : i64, scratch_operands = 7 : i64, tpu.core_type = #tpu.core_type<sc_vector_subcore>, window_params = [{transform_indices = #map}, {transform_indices = #map1}, {transform_indices = #map}]} {
    %mul3A = arith.constant 16 : i32
    %mul3A_0 = arith.muli %arg0, %mul3A : i32
    %add3A = arith.addi %mul3A_0, %arg1 : i32
    %mul3A_1 = arith.constant 5000 : i32
    %mul3A_2 = arith.muli %add3A, %mul3A_1 : i32
    "tpu.region"() ({
      %run_scoped3A = tpu.sem_alloc : memref<!tpu.dma_semaphore, #tpu.memory_space<semaphore_mem>>
      %dma_start3A_193 = arith.constant 0 : i32
      %dma_start3A_194 = arith.constant 0 : i32
      %dma_start3A_195 = tpu.memref_slice %arg3[%add3A, %dma_start3A_193, %dma_start3A_194] : memref<32x8x625xi32, #tpu.memory_space<hbm>> -> memref<1x8x625xi32, #tpu.memory_space<hbm>>
      %dma_start3A_196 = tpu.memref_squeeze %dma_start3A_195 : memref<1x8x625xi32, #tpu.memory_space<hbm>> -> memref<8x625xi32, #tpu.memory_space<hbm>>
      %dma_start3A_197 = arith.constant 0 : i32
      %dma_start3A_198 = arith.constant 0 : i32
      %dma_start3A_199 = tpu.memref_slice %arg3[%add3A, %dma_start3A_197, %dma_start3A_198] : memref<32x8x625xi32, #tpu.memory_space<hbm>> -> memref<1x8x625xi32, #tpu.memory_space<hbm>>
      %dma_start3A_200 = tpu.memref_squeeze %dma_start3A_199 : memref<1x8x625xi32, #tpu.memory_space<hbm>> -> memref<8x625xi32, #tpu.memory_space<hbm>>
      tpu.enqueue_dma source(%dma_start3A_200 : memref<8x625xi32, #tpu.memory_space<hbm>>) target(%arg5 : memref<8x625xi32, #tpu.memory_space<vmem>>) target_semaphore(%run_scoped3A : memref<!tpu.dma_semaphore, #tpu.memory_space<semaphore_mem>>)
      %dma_wait3A_201 = arith.constant 0 : i32
      %dma_wait3A_202 = arith.constant 0 : i32
      %dma_wait3A_203 = tpu.memref_slice %arg3[%add3A, %dma_wait3A_201, %dma_wait3A_202] : memref<32x8x625xi32, #tpu.memory_space<hbm>> -> memref<1x8x625xi32, #tpu.memory_space<hbm>>
      %dma_wait3A_204 = tpu.memref_squeeze %dma_wait3A_203 : memref<1x8x625xi32, #tpu.memory_space<hbm>> -> memref<8x625xi32, #tpu.memory_space<hbm>>
      %dma_wait3A_205 = arith.constant 0 : i32
      %dma_wait3A_206 = arith.constant 0 : i32
      %dma_wait3A_207 = tpu.memref_slice %arg3[%add3A, %dma_wait3A_205, %dma_wait3A_206] : memref<32x8x625xi32, #tpu.memory_space<hbm>> -> memref<1x8x625xi32, #tpu.memory_space<hbm>>
      %dma_wait3A_208 = tpu.memref_squeeze %dma_wait3A_207 : memref<1x8x625xi32, #tpu.memory_space<hbm>> -> memref<8x625xi32, #tpu.memory_space<hbm>>
      tpu.wait_dma2 semaphore(%run_scoped3A : memref<!tpu.dma_semaphore, #tpu.memory_space<semaphore_mem>>) src(%dma_wait3A_208 : memref<8x625xi32, #tpu.memory_space<hbm>>) dst(%arg5 : memref<8x625xi32, #tpu.memory_space<vmem>>)
      tpu.yield
    }) : () -> ()
    %dma_start3A = arith.constant 0 : i32
    %dma_start3A_3 = arith.constant 0 : i32
    %dma_start3A_4 = tpu.memref_slice %arg5[%dma_start3A, %dma_start3A_3] : memref<8x625xi32, #tpu.memory_space<vmem>> -> memref<1x625xi32, #tpu.memory_space<vmem>>
    %dma_start3A_5 = tpu.memref_squeeze %dma_start3A_4 : memref<1x625xi32, #tpu.memory_space<vmem>> -> memref<625xi32, #tpu.memory_space<vmem>>
    %dma_start3A_6 = arith.constant 0 : i32
    %dma_start3A_7 = arith.constant 0 : i32
    %dma_start3A_8 = tpu.memref_slice %arg2[%dma_start3A_6, %dma_start3A_7] : memref<10000x32xf32, #tpu.memory_space<hbm>> -> memref<10000x32xf32, #tpu.memory_space<hbm>>
    tpu.enqueue_indirect_dma source(%dma_start3A_8 : memref<10000x32xf32, #tpu.memory_space<hbm>>) target(%arg6 : memref<625x32xf32, #tpu.memory_space<vmem>>) offsets(%dma_start3A_5 : memref<625xi32, #tpu.memory_space<vmem>>) semaphore(%arg8 : memref<!tpu.dma_semaphore, #tpu.memory_space<semaphore_mem>>)
    %dma_start3A_9 = arith.constant 1 : i32
    %dma_start3A_10 = arith.constant 0 : i32
    %dma_start3A_11 = tpu.memref_slice %arg5[%dma_start3A_9, %dma_start3A_10] : memref<8x625xi32, #tpu.memory_space<vmem>> -> memref<1x625xi32, #tpu.memory_space<vmem>>
    %dma_start3A_12 = tpu.memref_squeeze %dma_start3A_11 : memref<1x625xi32, #tpu.memory_space<vmem>> -> memref<625xi32, #tpu.memory_space<vmem>>
    %dma_start3A_13 = arith.constant 0 : i32
    %dma_start3A_14 = arith.constant 0 : i32
    %dma_start3A_15 = tpu.memref_slice %arg2[%dma_start3A_13, %dma_start3A_14] : memref<10000x32xf32, #tpu.memory_space<hbm>> -> memref<10000x32xf32, #tpu.memory_space<hbm>>
    tpu.enqueue_indirect_dma source(%dma_start3A_15 : memref<10000x32xf32, #tpu.memory_space<hbm>>) target(%arg7 : memref<625x32xf32, #tpu.memory_space<vmem>>) offsets(%dma_start3A_12 : memref<625xi32, #tpu.memory_space<vmem>>) semaphore(%arg9 : memref<!tpu.dma_semaphore, #tpu.memory_space<semaphore_mem>>)
    %dma_wait3A = arith.constant 0 : i32
    %dma_wait3A_16 = arith.constant 0 : i32
    %dma_wait3A_17 = tpu.memref_slice %arg5[%dma_wait3A, %dma_wait3A_16] : memref<8x625xi32, #tpu.memory_space<vmem>> -> memref<1x625xi32, #tpu.memory_space<vmem>>
    %dma_wait3A_18 = tpu.memref_squeeze %dma_wait3A_17 : memref<1x625xi32, #tpu.memory_space<vmem>> -> memref<625xi32, #tpu.memory_space<vmem>>
    %dma_wait3A_19 = arith.constant 0 : i32
    %dma_wait3A_20 = arith.constant 0 : i32
    %dma_wait3A_21 = tpu.memref_slice %arg2[%dma_wait3A_19, %dma_wait3A_20] : memref<10000x32xf32, #tpu.memory_space<hbm>> -> memref<10000x32xf32, #tpu.memory_space<hbm>>
    tpu.wait_indirect_dma semaphore(%arg8 : memref<!tpu.dma_semaphore, #tpu.memory_space<semaphore_mem>>) src(%dma_wait3A_21 : memref<10000x32xf32, #tpu.memory_space<hbm>>) dst(%arg6 : memref<625x32xf32, #tpu.memory_space<vmem>>)
    %add3A_22 = arith.constant 0 : i32
    %add3A_23 = arith.addi %mul3A_2, %add3A_22 : i32
    %dma_start3A_24 = arith.constant 0 : i32
    %dma_start3A_25 = tpu.memref_slice %arg4[%add3A_23, %dma_start3A_24] : memref<160000x128xf32, #tpu.memory_space<hbm>> -> memref<625x32xf32, #tpu.memory_space<hbm>>
    %dma_start3A_26 = arith.constant 0 : i32
    %dma_start3A_27 = tpu.memref_slice %arg4[%add3A_23, %dma_start3A_26] : memref<160000x128xf32, #tpu.memory_space<hbm>> -> memref<625x32xf32, #tpu.memory_space<hbm>>
    tpu.enqueue_dma source(%arg6 : memref<625x32xf32, #tpu.memory_space<vmem>>) target(%dma_start3A_27 : memref<625x32xf32, #tpu.memory_space<hbm>>) target_semaphore(%arg10 : memref<!tpu.dma_semaphore, #tpu.memory_space<semaphore_mem>>)
    %dma_wait3A_28 = arith.constant 0 : i32
    %dma_wait3A_29 = tpu.memref_slice %arg4[%add3A_23, %dma_wait3A_28] : memref<160000x128xf32, #tpu.memory_space<hbm>> -> memref<625x32xf32, #tpu.memory_space<hbm>>
    %dma_wait3A_30 = arith.constant 0 : i32
    %dma_wait3A_31 = tpu.memref_slice %arg4[%add3A_23, %dma_wait3A_30] : memref<160000x128xf32, #tpu.memory_space<hbm>> -> memref<625x32xf32, #tpu.memory_space<hbm>>
    tpu.wait_dma2 semaphore(%arg10 : memref<!tpu.dma_semaphore, #tpu.memory_space<semaphore_mem>>) src(%arg6 : memref<625x32xf32, #tpu.memory_space<vmem>>) dst(%dma_wait3A_31 : memref<625x32xf32, #tpu.memory_space<hbm>>)
    %dma_start3A_32 = arith.constant 2 : i32
    %dma_start3A_33 = arith.constant 0 : i32
    %dma_start3A_34 = tpu.memref_slice %arg5[%dma_start3A_32, %dma_start3A_33] : memref<8x625xi32, #tpu.memory_space<vmem>> -> memref<1x625xi32, #tpu.memory_space<vmem>>
    %dma_start3A_35 = tpu.memref_squeeze %dma_start3A_34 : memref<1x625xi32, #tpu.memory_space<vmem>> -> memref<625xi32, #tpu.memory_space<vmem>>
    %dma_start3A_36 = arith.constant 0 : i32
    %dma_start3A_37 = arith.constant 0 : i32
    %dma_start3A_38 = tpu.memref_slice %arg2[%dma_start3A_36, %dma_start3A_37] : memref<10000x32xf32, #tpu.memory_space<hbm>> -> memref<10000x32xf32, #tpu.memory_space<hbm>>
    tpu.enqueue_indirect_dma source(%dma_start3A_38 : memref<10000x32xf32, #tpu.memory_space<hbm>>) target(%arg6 : memref<625x32xf32, #tpu.memory_space<vmem>>) offsets(%dma_start3A_35 : memref<625xi32, #tpu.memory_space<vmem>>) semaphore(%arg8 : memref<!tpu.dma_semaphore, #tpu.memory_space<semaphore_mem>>)
    %dma_wait3A_39 = arith.constant 1 : i32
    %dma_wait3A_40 = arith.constant 0 : i32
    %dma_wait3A_41 = tpu.memref_slice %arg5[%dma_wait3A_39, %dma_wait3A_40] : memref<8x625xi32, #tpu.memory_space<vmem>> -> memref<1x625xi32, #tpu.memory_space<vmem>>
    %dma_wait3A_42 = tpu.memref_squeeze %dma_wait3A_41 : memref<1x625xi32, #tpu.memory_space<vmem>> -> memref<625xi32, #tpu.memory_space<vmem>>
    %dma_wait3A_43 = arith.constant 0 : i32
    %dma_wait3A_44 = arith.constant 0 : i32
    %dma_wait3A_45 = tpu.memref_slice %arg2[%dma_wait3A_43, %dma_wait3A_44] : memref<10000x32xf32, #tpu.memory_space<hbm>> -> memref<10000x32xf32, #tpu.memory_space<hbm>>
    tpu.wait_indirect_dma semaphore(%arg9 : memref<!tpu.dma_semaphore, #tpu.memory_space<semaphore_mem>>) src(%dma_wait3A_45 : memref<10000x32xf32, #tpu.memory_space<hbm>>) dst(%arg7 : memref<625x32xf32, #tpu.memory_space<vmem>>)
    %add3A_46 = arith.constant 625 : i32
    %add3A_47 = arith.addi %mul3A_2, %add3A_46 : i32
    %dma_start3A_48 = arith.constant 0 : i32
    %dma_start3A_49 = tpu.memref_slice %arg4[%add3A_47, %dma_start3A_48] : memref<160000x128xf32, #tpu.memory_space<hbm>> -> memref<625x32xf32, #tpu.memory_space<hbm>>
    %dma_start3A_50 = arith.constant 0 : i32
    %dma_start3A_51 = tpu.memref_slice %arg4[%add3A_47, %dma_start3A_50] : memref<160000x128xf32, #tpu.memory_space<hbm>> -> memref<625x32xf32, #tpu.memory_space<hbm>>
    tpu.enqueue_dma source(%arg7 : memref<625x32xf32, #tpu.memory_space<vmem>>) target(%dma_start3A_51 : memref<625x32xf32, #tpu.memory_space<hbm>>) target_semaphore(%arg11 : memref<!tpu.dma_semaphore, #tpu.memory_space<semaphore_mem>>)
    %dma_wait3A_52 = arith.constant 0 : i32
    %dma_wait3A_53 = tpu.memref_slice %arg4[%add3A_47, %dma_wait3A_52] : memref<160000x128xf32, #tpu.memory_space<hbm>> -> memref<625x32xf32, #tpu.memory_space<hbm>>
    %dma_wait3A_54 = arith.constant 0 : i32
    %dma_wait3A_55 = tpu.memref_slice %arg4[%add3A_47, %dma_wait3A_54] : memref<160000x128xf32, #tpu.memory_space<hbm>> -> memref<625x32xf32, #tpu.memory_space<hbm>>
    tpu.wait_dma2 semaphore(%arg11 : memref<!tpu.dma_semaphore, #tpu.memory_space<semaphore_mem>>) src(%arg7 : memref<625x32xf32, #tpu.memory_space<vmem>>) dst(%dma_wait3A_55 : memref<625x32xf32, #tpu.memory_space<hbm>>)
    %dma_start3A_56 = arith.constant 3 : i32
    %dma_start3A_57 = arith.constant 0 : i32
    %dma_start3A_58 = tpu.memref_slice %arg5[%dma_start3A_56, %dma_start3A_57] : memref<8x625xi32, #tpu.memory_space<vmem>> -> memref<1x625xi32, #tpu.memory_space<vmem>>
    %dma_start3A_59 = tpu.memref_squeeze %dma_start3A_58 : memref<1x625xi32, #tpu.memory_space<vmem>> -> memref<625xi32, #tpu.memory_space<vmem>>
    %dma_start3A_60 = arith.constant 0 : i32
    %dma_start3A_61 = arith.constant 0 : i32
    %dma_start3A_62 = tpu.memref_slice %arg2[%dma_start3A_60, %dma_start3A_61] : memref<10000x32xf32, #tpu.memory_space<hbm>> -> memref<10000x32xf32, #tpu.memory_space<hbm>>
    tpu.enqueue_indirect_dma source(%dma_start3A_62 : memref<10000x32xf32, #tpu.memory_space<hbm>>) target(%arg7 : memref<625x32xf32, #tpu.memory_space<vmem>>) offsets(%dma_start3A_59 : memref<625xi32, #tpu.memory_space<vmem>>) semaphore(%arg9 : memref<!tpu.dma_semaphore, #tpu.memory_space<semaphore_mem>>)
    %dma_wait3A_63 = arith.constant 2 : i32
    %dma_wait3A_64 = arith.constant 0 : i32
    %dma_wait3A_65 = tpu.memref_slice %arg5[%dma_wait3A_63, %dma_wait3A_64] : memref<8x625xi32, #tpu.memory_space<vmem>> -> memref<1x625xi32, #tpu.memory_space<vmem>>
    %dma_wait3A_66 = tpu.memref_squeeze %dma_wait3A_65 : memref<1x625xi32, #tpu.memory_space<vmem>> -> memref<625xi32, #tpu.memory_space<vmem>>
    %dma_wait3A_67 = arith.constant 0 : i32
    %dma_wait3A_68 = arith.constant 0 : i32
    %dma_wait3A_69 = tpu.memref_slice %arg2[%dma_wait3A_67, %dma_wait3A_68] : memref<10000x32xf32, #tpu.memory_space<hbm>> -> memref<10000x32xf32, #tpu.memory_space<hbm>>
    tpu.wait_indirect_dma semaphore(%arg8 : memref<!tpu.dma_semaphore, #tpu.memory_space<semaphore_mem>>) src(%dma_wait3A_69 : memref<10000x32xf32, #tpu.memory_space<hbm>>) dst(%arg6 : memref<625x32xf32, #tpu.memory_space<vmem>>)
    %add3A_70 = arith.constant 1250 : i32
    %add3A_71 = arith.addi %mul3A_2, %add3A_70 : i32
    %dma_start3A_72 = arith.constant 0 : i32
    %dma_start3A_73 = tpu.memref_slice %arg4[%add3A_71, %dma_start3A_72] : memref<160000x128xf32, #tpu.memory_space<hbm>> -> memref<625x32xf32, #tpu.memory_space<hbm>>
    %dma_start3A_74 = arith.constant 0 : i32
    %dma_start3A_75 = tpu.memref_slice %arg4[%add3A_71, %dma_start3A_74] : memref<160000x128xf32, #tpu.memory_space<hbm>> -> memref<625x32xf32, #tpu.memory_space<hbm>>
    tpu.enqueue_dma source(%arg6 : memref<625x32xf32, #tpu.memory_space<vmem>>) target(%dma_start3A_75 : memref<625x32xf32, #tpu.memory_space<hbm>>) target_semaphore(%arg10 : memref<!tpu.dma_semaphore, #tpu.memory_space<semaphore_mem>>)
    %dma_wait3A_76 = arith.constant 0 : i32
    %dma_wait3A_77 = tpu.memref_slice %arg4[%add3A_71, %dma_wait3A_76] : memref<160000x128xf32, #tpu.memory_space<hbm>> -> memref<625x32xf32, #tpu.memory_space<hbm>>
    %dma_wait3A_78 = arith.constant 0 : i32
    %dma_wait3A_79 = tpu.memref_slice %arg4[%add3A_71, %dma_wait3A_78] : memref<160000x128xf32, #tpu.memory_space<hbm>> -> memref<625x32xf32, #tpu.memory_space<hbm>>
    tpu.wait_dma2 semaphore(%arg10 : memref<!tpu.dma_semaphore, #tpu.memory_space<semaphore_mem>>) src(%arg6 : memref<625x32xf32, #tpu.memory_space<vmem>>) dst(%dma_wait3A_79 : memref<625x32xf32, #tpu.memory_space<hbm>>)
    %dma_start3A_80 = arith.constant 4 : i32
    %dma_start3A_81 = arith.constant 0 : i32
    %dma_start3A_82 = tpu.memref_slice %arg5[%dma_start3A_80, %dma_start3A_81] : memref<8x625xi32, #tpu.memory_space<vmem>> -> memref<1x625xi32, #tpu.memory_space<vmem>>
    %dma_start3A_83 = tpu.memref_squeeze %dma_start3A_82 : memref<1x625xi32, #tpu.memory_space<vmem>> -> memref<625xi32, #tpu.memory_space<vmem>>
    %dma_start3A_84 = arith.constant 0 : i32
    %dma_start3A_85 = arith.constant 0 : i32
    %dma_start3A_86 = tpu.memref_slice %arg2[%dma_start3A_84, %dma_start3A_85] : memref<10000x32xf32, #tpu.memory_space<hbm>> -> memref<10000x32xf32, #tpu.memory_space<hbm>>
    tpu.enqueue_indirect_dma source(%dma_start3A_86 : memref<10000x32xf32, #tpu.memory_space<hbm>>) target(%arg6 : memref<625x32xf32, #tpu.memory_space<vmem>>) offsets(%dma_start3A_83 : memref<625xi32, #tpu.memory_space<vmem>>) semaphore(%arg8 : memref<!tpu.dma_semaphore, #tpu.memory_space<semaphore_mem>>)
    %dma_wait3A_87 = arith.constant 3 : i32
    %dma_wait3A_88 = arith.constant 0 : i32
    %dma_wait3A_89 = tpu.memref_slice %arg5[%dma_wait3A_87, %dma_wait3A_88] : memref<8x625xi32, #tpu.memory_space<vmem>> -> memref<1x625xi32, #tpu.memory_space<vmem>>
    %dma_wait3A_90 = tpu.memref_squeeze %dma_wait3A_89 : memref<1x625xi32, #tpu.memory_space<vmem>> -> memref<625xi32, #tpu.memory_space<vmem>>
    %dma_wait3A_91 = arith.constant 0 : i32
    %dma_wait3A_92 = arith.constant 0 : i32
    %dma_wait3A_93 = tpu.memref_slice %arg2[%dma_wait3A_91, %dma_wait3A_92] : memref<10000x32xf32, #tpu.memory_space<hbm>> -> memref<10000x32xf32, #tpu.memory_space<hbm>>
    tpu.wait_indirect_dma semaphore(%arg9 : memref<!tpu.dma_semaphore, #tpu.memory_space<semaphore_mem>>) src(%dma_wait3A_93 : memref<10000x32xf32, #tpu.memory_space<hbm>>) dst(%arg7 : memref<625x32xf32, #tpu.memory_space<vmem>>)
    %add3A_94 = arith.constant 1875 : i32
    %add3A_95 = arith.addi %mul3A_2, %add3A_94 : i32
    %dma_start3A_96 = arith.constant 0 : i32
    %dma_start3A_97 = tpu.memref_slice %arg4[%add3A_95, %dma_start3A_96] : memref<160000x128xf32, #tpu.memory_space<hbm>> -> memref<625x32xf32, #tpu.memory_space<hbm>>
    %dma_start3A_98 = arith.constant 0 : i32
    %dma_start3A_99 = tpu.memref_slice %arg4[%add3A_95, %dma_start3A_98] : memref<160000x128xf32, #tpu.memory_space<hbm>> -> memref<625x32xf32, #tpu.memory_space<hbm>>
    tpu.enqueue_dma source(%arg7 : memref<625x32xf32, #tpu.memory_space<vmem>>) target(%dma_start3A_99 : memref<625x32xf32, #tpu.memory_space<hbm>>) target_semaphore(%arg11 : memref<!tpu.dma_semaphore, #tpu.memory_space<semaphore_mem>>)
    %dma_wait3A_100 = arith.constant 0 : i32
    %dma_wait3A_101 = tpu.memref_slice %arg4[%add3A_95, %dma_wait3A_100] : memref<160000x128xf32, #tpu.memory_space<hbm>> -> memref<625x32xf32, #tpu.memory_space<hbm>>
    %dma_wait3A_102 = arith.constant 0 : i32
    %dma_wait3A_103 = tpu.memref_slice %arg4[%add3A_95, %dma_wait3A_102] : memref<160000x128xf32, #tpu.memory_space<hbm>> -> memref<625x32xf32, #tpu.memory_space<hbm>>
    tpu.wait_dma2 semaphore(%arg11 : memref<!tpu.dma_semaphore, #tpu.memory_space<semaphore_mem>>) src(%arg7 : memref<625x32xf32, #tpu.memory_space<vmem>>) dst(%dma_wait3A_103 : memref<625x32xf32, #tpu.memory_space<hbm>>)
    %dma_start3A_104 = arith.constant 5 : i32
    %dma_start3A_105 = arith.constant 0 : i32
    %dma_start3A_106 = tpu.memref_slice %arg5[%dma_start3A_104, %dma_start3A_105] : memref<8x625xi32, #tpu.memory_space<vmem>> -> memref<1x625xi32, #tpu.memory_space<vmem>>
    %dma_start3A_107 = tpu.memref_squeeze %dma_start3A_106 : memref<1x625xi32, #tpu.memory_space<vmem>> -> memref<625xi32, #tpu.memory_space<vmem>>
    %dma_start3A_108 = arith.constant 0 : i32
    %dma_start3A_109 = arith.constant 0 : i32
    %dma_start3A_110 = tpu.memref_slice %arg2[%dma_start3A_108, %dma_start3A_109] : memref<10000x32xf32, #tpu.memory_space<hbm>> -> memref<10000x32xf32, #tpu.memory_space<hbm>>
    tpu.enqueue_indirect_dma source(%dma_start3A_110 : memref<10000x32xf32, #tpu.memory_space<hbm>>) target(%arg7 : memref<625x32xf32, #tpu.memory_space<vmem>>) offsets(%dma_start3A_107 : memref<625xi32, #tpu.memory_space<vmem>>) semaphore(%arg9 : memref<!tpu.dma_semaphore, #tpu.memory_space<semaphore_mem>>)
    %dma_wait3A_111 = arith.constant 4 : i32
    %dma_wait3A_112 = arith.constant 0 : i32
    %dma_wait3A_113 = tpu.memref_slice %arg5[%dma_wait3A_111, %dma_wait3A_112] : memref<8x625xi32, #tpu.memory_space<vmem>> -> memref<1x625xi32, #tpu.memory_space<vmem>>
    %dma_wait3A_114 = tpu.memref_squeeze %dma_wait3A_113 : memref<1x625xi32, #tpu.memory_space<vmem>> -> memref<625xi32, #tpu.memory_space<vmem>>
    %dma_wait3A_115 = arith.constant 0 : i32
    %dma_wait3A_116 = arith.constant 0 : i32
    %dma_wait3A_117 = tpu.memref_slice %arg2[%dma_wait3A_115, %dma_wait3A_116] : memref<10000x32xf32, #tpu.memory_space<hbm>> -> memref<10000x32xf32, #tpu.memory_space<hbm>>
    tpu.wait_indirect_dma semaphore(%arg8 : memref<!tpu.dma_semaphore, #tpu.memory_space<semaphore_mem>>) src(%dma_wait3A_117 : memref<10000x32xf32, #tpu.memory_space<hbm>>) dst(%arg6 : memref<625x32xf32, #tpu.memory_space<vmem>>)
    %add3A_118 = arith.constant 2500 : i32
    %add3A_119 = arith.addi %mul3A_2, %add3A_118 : i32
    %dma_start3A_120 = arith.constant 0 : i32
    %dma_start3A_121 = tpu.memref_slice %arg4[%add3A_119, %dma_start3A_120] : memref<160000x128xf32, #tpu.memory_space<hbm>> -> memref<625x32xf32, #tpu.memory_space<hbm>>
    %dma_start3A_122 = arith.constant 0 : i32
    %dma_start3A_123 = tpu.memref_slice %arg4[%add3A_119, %dma_start3A_122] : memref<160000x128xf32, #tpu.memory_space<hbm>> -> memref<625x32xf32, #tpu.memory_space<hbm>>
    tpu.enqueue_dma source(%arg6 : memref<625x32xf32, #tpu.memory_space<vmem>>) target(%dma_start3A_123 : memref<625x32xf32, #tpu.memory_space<hbm>>) target_semaphore(%arg10 : memref<!tpu.dma_semaphore, #tpu.memory_space<semaphore_mem>>)
    %dma_wait3A_124 = arith.constant 0 : i32
    %dma_wait3A_125 = tpu.memref_slice %arg4[%add3A_119, %dma_wait3A_124] : memref<160000x128xf32, #tpu.memory_space<hbm>> -> memref<625x32xf32, #tpu.memory_space<hbm>>
    %dma_wait3A_126 = arith.constant 0 : i32
    %dma_wait3A_127 = tpu.memref_slice %arg4[%add3A_119, %dma_wait3A_126] : memref<160000x128xf32, #tpu.memory_space<hbm>> -> memref<625x32xf32, #tpu.memory_space<hbm>>
    tpu.wait_dma2 semaphore(%arg10 : memref<!tpu.dma_semaphore, #tpu.memory_space<semaphore_mem>>) src(%arg6 : memref<625x32xf32, #tpu.memory_space<vmem>>) dst(%dma_wait3A_127 : memref<625x32xf32, #tpu.memory_space<hbm>>)
    %dma_start3A_128 = arith.constant 6 : i32
    %dma_start3A_129 = arith.constant 0 : i32
    %dma_start3A_130 = tpu.memref_slice %arg5[%dma_start3A_128, %dma_start3A_129] : memref<8x625xi32, #tpu.memory_space<vmem>> -> memref<1x625xi32, #tpu.memory_space<vmem>>
    %dma_start3A_131 = tpu.memref_squeeze %dma_start3A_130 : memref<1x625xi32, #tpu.memory_space<vmem>> -> memref<625xi32, #tpu.memory_space<vmem>>
    %dma_start3A_132 = arith.constant 0 : i32
    %dma_start3A_133 = arith.constant 0 : i32
    %dma_start3A_134 = tpu.memref_slice %arg2[%dma_start3A_132, %dma_start3A_133] : memref<10000x32xf32, #tpu.memory_space<hbm>> -> memref<10000x32xf32, #tpu.memory_space<hbm>>
    tpu.enqueue_indirect_dma source(%dma_start3A_134 : memref<10000x32xf32, #tpu.memory_space<hbm>>) target(%arg6 : memref<625x32xf32, #tpu.memory_space<vmem>>) offsets(%dma_start3A_131 : memref<625xi32, #tpu.memory_space<vmem>>) semaphore(%arg8 : memref<!tpu.dma_semaphore, #tpu.memory_space<semaphore_mem>>)
    %dma_wait3A_135 = arith.constant 5 : i32
    %dma_wait3A_136 = arith.constant 0 : i32
    %dma_wait3A_137 = tpu.memref_slice %arg5[%dma_wait3A_135, %dma_wait3A_136] : memref<8x625xi32, #tpu.memory_space<vmem>> -> memref<1x625xi32, #tpu.memory_space<vmem>>
    %dma_wait3A_138 = tpu.memref_squeeze %dma_wait3A_137 : memref<1x625xi32, #tpu.memory_space<vmem>> -> memref<625xi32, #tpu.memory_space<vmem>>
    %dma_wait3A_139 = arith.constant 0 : i32
    %dma_wait3A_140 = arith.constant 0 : i32
    %dma_wait3A_141 = tpu.memref_slice %arg2[%dma_wait3A_139, %dma_wait3A_140] : memref<10000x32xf32, #tpu.memory_space<hbm>> -> memref<10000x32xf32, #tpu.memory_space<hbm>>
    tpu.wait_indirect_dma semaphore(%arg9 : memref<!tpu.dma_semaphore, #tpu.memory_space<semaphore_mem>>) src(%dma_wait3A_141 : memref<10000x32xf32, #tpu.memory_space<hbm>>) dst(%arg7 : memref<625x32xf32, #tpu.memory_space<vmem>>)
    %add3A_142 = arith.constant 3125 : i32
    %add3A_143 = arith.addi %mul3A_2, %add3A_142 : i32
    %dma_start3A_144 = arith.constant 0 : i32
    %dma_start3A_145 = tpu.memref_slice %arg4[%add3A_143, %dma_start3A_144] : memref<160000x128xf32, #tpu.memory_space<hbm>> -> memref<625x32xf32, #tpu.memory_space<hbm>>
    %dma_start3A_146 = arith.constant 0 : i32
    %dma_start3A_147 = tpu.memref_slice %arg4[%add3A_143, %dma_start3A_146] : memref<160000x128xf32, #tpu.memory_space<hbm>> -> memref<625x32xf32, #tpu.memory_space<hbm>>
    tpu.enqueue_dma source(%arg7 : memref<625x32xf32, #tpu.memory_space<vmem>>) target(%dma_start3A_147 : memref<625x32xf32, #tpu.memory_space<hbm>>) target_semaphore(%arg11 : memref<!tpu.dma_semaphore, #tpu.memory_space<semaphore_mem>>)
    %dma_wait3A_148 = arith.constant 0 : i32
    %dma_wait3A_149 = tpu.memref_slice %arg4[%add3A_143, %dma_wait3A_148] : memref<160000x128xf32, #tpu.memory_space<hbm>> -> memref<625x32xf32, #tpu.memory_space<hbm>>
    %dma_wait3A_150 = arith.constant 0 : i32
    %dma_wait3A_151 = tpu.memref_slice %arg4[%add3A_143, %dma_wait3A_150] : memref<160000x128xf32, #tpu.memory_space<hbm>> -> memref<625x32xf32, #tpu.memory_space<hbm>>
    tpu.wait_dma2 semaphore(%arg11 : memref<!tpu.dma_semaphore, #tpu.memory_space<semaphore_mem>>) src(%arg7 : memref<625x32xf32, #tpu.memory_space<vmem>>) dst(%dma_wait3A_151 : memref<625x32xf32, #tpu.memory_space<hbm>>)
    %dma_start3A_152 = arith.constant 7 : i32
    %dma_start3A_153 = arith.constant 0 : i32
    %dma_start3A_154 = tpu.memref_slice %arg5[%dma_start3A_152, %dma_start3A_153] : memref<8x625xi32, #tpu.memory_space<vmem>> -> memref<1x625xi32, #tpu.memory_space<vmem>>
    %dma_start3A_155 = tpu.memref_squeeze %dma_start3A_154 : memref<1x625xi32, #tpu.memory_space<vmem>> -> memref<625xi32, #tpu.memory_space<vmem>>
    %dma_start3A_156 = arith.constant 0 : i32
    %dma_start3A_157 = arith.constant 0 : i32
    %dma_start3A_158 = tpu.memref_slice %arg2[%dma_start3A_156, %dma_start3A_157] : memref<10000x32xf32, #tpu.memory_space<hbm>> -> memref<10000x32xf32, #tpu.memory_space<hbm>>
    tpu.enqueue_indirect_dma source(%dma_start3A_158 : memref<10000x32xf32, #tpu.memory_space<hbm>>) target(%arg7 : memref<625x32xf32, #tpu.memory_space<vmem>>) offsets(%dma_start3A_155 : memref<625xi32, #tpu.memory_space<vmem>>) semaphore(%arg9 : memref<!tpu.dma_semaphore, #tpu.memory_space<semaphore_mem>>)
    %dma_wait3A_159 = arith.constant 6 : i32
    %dma_wait3A_160 = arith.constant 0 : i32
    %dma_wait3A_161 = tpu.memref_slice %arg5[%dma_wait3A_159, %dma_wait3A_160] : memref<8x625xi32, #tpu.memory_space<vmem>> -> memref<1x625xi32, #tpu.memory_space<vmem>>
    %dma_wait3A_162 = tpu.memref_squeeze %dma_wait3A_161 : memref<1x625xi32, #tpu.memory_space<vmem>> -> memref<625xi32, #tpu.memory_space<vmem>>
    %dma_wait3A_163 = arith.constant 0 : i32
    %dma_wait3A_164 = arith.constant 0 : i32
    %dma_wait3A_165 = tpu.memref_slice %arg2[%dma_wait3A_163, %dma_wait3A_164] : memref<10000x32xf32, #tpu.memory_space<hbm>> -> memref<10000x32xf32, #tpu.memory_space<hbm>>
    tpu.wait_indirect_dma semaphore(%arg8 : memref<!tpu.dma_semaphore, #tpu.memory_space<semaphore_mem>>) src(%dma_wait3A_165 : memref<10000x32xf32, #tpu.memory_space<hbm>>) dst(%arg6 : memref<625x32xf32, #tpu.memory_space<vmem>>)
    %add3A_166 = arith.constant 3750 : i32
    %add3A_167 = arith.addi %mul3A_2, %add3A_166 : i32
    %dma_start3A_168 = arith.constant 0 : i32
    %dma_start3A_169 = tpu.memref_slice %arg4[%add3A_167, %dma_start3A_168] : memref<160000x128xf32, #tpu.memory_space<hbm>> -> memref<625x32xf32, #tpu.memory_space<hbm>>
    %dma_start3A_170 = arith.constant 0 : i32
    %dma_start3A_171 = tpu.memref_slice %arg4[%add3A_167, %dma_start3A_170] : memref<160000x128xf32, #tpu.memory_space<hbm>> -> memref<625x32xf32, #tpu.memory_space<hbm>>
    tpu.enqueue_dma source(%arg6 : memref<625x32xf32, #tpu.memory_space<vmem>>) target(%dma_start3A_171 : memref<625x32xf32, #tpu.memory_space<hbm>>) target_semaphore(%arg10 : memref<!tpu.dma_semaphore, #tpu.memory_space<semaphore_mem>>)
    %dma_wait3A_172 = arith.constant 7 : i32
    %dma_wait3A_173 = arith.constant 0 : i32
    %dma_wait3A_174 = tpu.memref_slice %arg5[%dma_wait3A_172, %dma_wait3A_173] : memref<8x625xi32, #tpu.memory_space<vmem>> -> memref<1x625xi32, #tpu.memory_space<vmem>>
    %dma_wait3A_175 = tpu.memref_squeeze %dma_wait3A_174 : memref<1x625xi32, #tpu.memory_space<vmem>> -> memref<625xi32, #tpu.memory_space<vmem>>
    %dma_wait3A_176 = arith.constant 0 : i32
    %dma_wait3A_177 = arith.constant 0 : i32
    %dma_wait3A_178 = tpu.memref_slice %arg2[%dma_wait3A_176, %dma_wait3A_177] : memref<10000x32xf32, #tpu.memory_space<hbm>> -> memref<10000x32xf32, #tpu.memory_space<hbm>>
    tpu.wait_indirect_dma semaphore(%arg9 : memref<!tpu.dma_semaphore, #tpu.memory_space<semaphore_mem>>) src(%dma_wait3A_178 : memref<10000x32xf32, #tpu.memory_space<hbm>>) dst(%arg7 : memref<625x32xf32, #tpu.memory_space<vmem>>)
    %add3A_179 = arith.constant 4375 : i32
    %add3A_180 = arith.addi %mul3A_2, %add3A_179 : i32
    %dma_start3A_181 = arith.constant 0 : i32
    %dma_start3A_182 = tpu.memref_slice %arg4[%add3A_180, %dma_start3A_181] : memref<160000x128xf32, #tpu.memory_space<hbm>> -> memref<625x32xf32, #tpu.memory_space<hbm>>
    %dma_start3A_183 = arith.constant 0 : i32
    %dma_start3A_184 = tpu.memref_slice %arg4[%add3A_180, %dma_start3A_183] : memref<160000x128xf32, #tpu.memory_space<hbm>> -> memref<625x32xf32, #tpu.memory_space<hbm>>
    tpu.enqueue_dma source(%arg7 : memref<625x32xf32, #tpu.memory_space<vmem>>) target(%dma_start3A_184 : memref<625x32xf32, #tpu.memory_space<hbm>>) target_semaphore(%arg11 : memref<!tpu.dma_semaphore, #tpu.memory_space<semaphore_mem>>)
    %dma_wait3A_185 = arith.constant 0 : i32
    %dma_wait3A_186 = tpu.memref_slice %arg4[%add3A_167, %dma_wait3A_185] : memref<160000x128xf32, #tpu.memory_space<hbm>> -> memref<625x32xf32, #tpu.memory_space<hbm>>
    %dma_wait3A_187 = arith.constant 0 : i32
    %dma_wait3A_188 = tpu.memref_slice %arg4[%add3A_167, %dma_wait3A_187] : memref<160000x128xf32, #tpu.memory_space<hbm>> -> memref<625x32xf32, #tpu.memory_space<hbm>>
    tpu.wait_dma2 semaphore(%arg10 : memref<!tpu.dma_semaphore, #tpu.memory_space<semaphore_mem>>) src(%arg6 : memref<625x32xf32, #tpu.memory_space<vmem>>) dst(%dma_wait3A_188 : memref<625x32xf32, #tpu.memory_space<hbm>>)
    %dma_wait3A_189 = arith.constant 0 : i32
    %dma_wait3A_190 = tpu.memref_slice %arg4[%add3A_180, %dma_wait3A_189] : memref<160000x128xf32, #tpu.memory_space<hbm>> -> memref<625x32xf32, #tpu.memory_space<hbm>>
    %dma_wait3A_191 = arith.constant 0 : i32
    %dma_wait3A_192 = tpu.memref_slice %arg4[%add3A_180, %dma_wait3A_191] : memref<160000x128xf32, #tpu.memory_space<hbm>> -> memref<625x32xf32, #tpu.memory_space<hbm>>
    tpu.wait_dma2 semaphore(%arg11 : memref<!tpu.dma_semaphore, #tpu.memory_space<semaphore_mem>>) src(%arg7 : memref<625x32xf32, #tpu.memory_space<vmem>>) dst(%dma_wait3A_192 : memref<625x32xf32, #tpu.memory_space<hbm>>)
    return
  }
}

#map = affine_map<(d0, d1) -> (0, 0)>
#map1 = affine_map<(d0, d1) -> (0, 0, 0)>
module attributes {stable_mosaic.version = 14 : i64} {
  func.func @_scatter_body(%arg0: i32, %arg1: i32, %arg2: memref<160000x128xf32, #tpu.memory_space<hbm>>, %arg3: memref<32x8x625xi32, #tpu.memory_space<hbm>>, %arg4: memref<640x32xf32, #tpu.memory_space<hbm>>, %arg5: memref<640x16xf32, #tpu.memory_space<hbm>>, %arg6: memref<625x16xf32, #tpu.memory_space<hbm>>, %arg7: memref<20480x32xf32, #tpu.memory_space<hbm>>, %arg8: memref<20480x16xf32, #tpu.memory_space<hbm>>, %arg9: memref<8x625xi32, #tpu.memory_space<vmem>>, %arg10: memref<625x32xf32, #tpu.memory_space<vmem>>, %arg11: memref<625x32xf32, #tpu.memory_space<vmem>>, %arg12: memref<625x16xf32, #tpu.memory_space<vmem>>, %arg13: memref<10240x32xf32, #tpu.memory_space<vmem_shared>>, %arg14: memref<10240x16xf32, #tpu.memory_space<vmem_shared>>, %arg15: memref<!tpu.dma_semaphore, #tpu.memory_space<semaphore_mem>>, %arg16: memref<!tpu.dma_semaphore, #tpu.memory_space<semaphore_mem>>) attributes {dimension_semantics = [#tpu.dimension_semantics<core_parallel>, #tpu.dimension_semantics<subcore_parallel>], iteration_bounds = array<i64: 2, 16>, scalar_prefetch = 0 : i64, scratch_operands = 8 : i64, tpu.core_type = #tpu.core_type<sc_vector_subcore>, window_params = [{transform_indices = #map}, {transform_indices = #map1}, {transform_indices = #map}, {transform_indices = #map}, {transform_indices = #map}, {transform_indices = #map}, {transform_indices = #map}]} {
    %mul3A = arith.constant 16 : i32
    %mul3A_0 = arith.muli %arg0, %mul3A : i32
    %add3A = arith.addi %mul3A_0, %arg1 : i32
    %mul3A_1 = arith.constant 5000 : i32
    %mul3A_2 = arith.muli %add3A, %mul3A_1 : i32
    %mul3A_3 = arith.constant 640 : i32
    %mul3A_4 = arith.muli %arg1, %mul3A_3 : i32
    "tpu.region"() ({
      %run_scoped3A_100 = tpu.sem_alloc : memref<!tpu.dma_semaphore, #tpu.memory_space<semaphore_mem>>
      %dma_start3A_101 = arith.constant 0 : i32
      %dma_start3A_102 = tpu.memref_slice %arg13[%mul3A_4, %dma_start3A_101] : memref<10240x32xf32, #tpu.memory_space<vmem_shared>> -> memref<640x32xf32, #tpu.memory_space<vmem_shared>>
      tpu.enqueue_dma source(%arg4 : memref<640x32xf32, #tpu.memory_space<hbm>>) target(%dma_start3A_102 : memref<640x32xf32, #tpu.memory_space<vmem_shared>>) target_semaphore(%run_scoped3A_100 : memref<!tpu.dma_semaphore, #tpu.memory_space<semaphore_mem>>)
      %dma_wait3A_103 = arith.constant 0 : i32
      %dma_wait3A_104 = tpu.memref_slice %arg13[%mul3A_4, %dma_wait3A_103] : memref<10240x32xf32, #tpu.memory_space<vmem_shared>> -> memref<640x32xf32, #tpu.memory_space<vmem_shared>>
      tpu.wait_dma2 semaphore(%run_scoped3A_100 : memref<!tpu.dma_semaphore, #tpu.memory_space<semaphore_mem>>) src(%arg4 : memref<640x32xf32, #tpu.memory_space<hbm>>) dst(%dma_wait3A_104 : memref<640x32xf32, #tpu.memory_space<vmem_shared>>)
      tpu.yield
    }) : () -> ()
    "tpu.region"() ({
      %run_scoped3A_100 = tpu.sem_alloc : memref<!tpu.dma_semaphore, #tpu.memory_space<semaphore_mem>>
      %dma_start3A_101 = arith.constant 0 : i32
      %dma_start3A_102 = tpu.memref_slice %arg14[%mul3A_4, %dma_start3A_101] : memref<10240x16xf32, #tpu.memory_space<vmem_shared>> -> memref<640x16xf32, #tpu.memory_space<vmem_shared>>
      tpu.enqueue_dma source(%arg5 : memref<640x16xf32, #tpu.memory_space<hbm>>) target(%dma_start3A_102 : memref<640x16xf32, #tpu.memory_space<vmem_shared>>) target_semaphore(%run_scoped3A_100 : memref<!tpu.dma_semaphore, #tpu.memory_space<semaphore_mem>>)
      %dma_wait3A_103 = arith.constant 0 : i32
      %dma_wait3A_104 = tpu.memref_slice %arg14[%mul3A_4, %dma_wait3A_103] : memref<10240x16xf32, #tpu.memory_space<vmem_shared>> -> memref<640x16xf32, #tpu.memory_space<vmem_shared>>
      tpu.wait_dma2 semaphore(%run_scoped3A_100 : memref<!tpu.dma_semaphore, #tpu.memory_space<semaphore_mem>>) src(%arg5 : memref<640x16xf32, #tpu.memory_space<hbm>>) dst(%dma_wait3A_104 : memref<640x16xf32, #tpu.memory_space<vmem_shared>>)
      tpu.yield
    }) : () -> ()
    "tpu.region"() ({
      %run_scoped3A_100 = tpu.sem_alloc : memref<!tpu.dma_semaphore, #tpu.memory_space<semaphore_mem>>
      tpu.enqueue_dma source(%arg6 : memref<625x16xf32, #tpu.memory_space<hbm>>) target(%arg12 : memref<625x16xf32, #tpu.memory_space<vmem>>) target_semaphore(%run_scoped3A_100 : memref<!tpu.dma_semaphore, #tpu.memory_space<semaphore_mem>>)
      tpu.wait_dma2 semaphore(%run_scoped3A_100 : memref<!tpu.dma_semaphore, #tpu.memory_space<semaphore_mem>>) src(%arg6 : memref<625x16xf32, #tpu.memory_space<hbm>>) dst(%arg12 : memref<625x16xf32, #tpu.memory_space<vmem>>)
      tpu.yield
    }) : () -> ()
    "tpu.region"() ({
      %run_scoped3A_100 = tpu.sem_alloc : memref<!tpu.dma_semaphore, #tpu.memory_space<semaphore_mem>>
      %dma_start3A_101 = arith.constant 0 : i32
      %dma_start3A_102 = arith.constant 0 : i32
      %dma_start3A_103 = tpu.memref_slice %arg3[%add3A, %dma_start3A_101, %dma_start3A_102] : memref<32x8x625xi32, #tpu.memory_space<hbm>> -> memref<1x8x625xi32, #tpu.memory_space<hbm>>
      %dma_start3A_104 = tpu.memref_squeeze %dma_start3A_103 : memref<1x8x625xi32, #tpu.memory_space<hbm>> -> memref<8x625xi32, #tpu.memory_space<hbm>>
      %dma_start3A_105 = arith.constant 0 : i32
      %dma_start3A_106 = arith.constant 0 : i32
      %dma_start3A_107 = tpu.memref_slice %arg3[%add3A, %dma_start3A_105, %dma_start3A_106] : memref<32x8x625xi32, #tpu.memory_space<hbm>> -> memref<1x8x625xi32, #tpu.memory_space<hbm>>
      %dma_start3A_108 = tpu.memref_squeeze %dma_start3A_107 : memref<1x8x625xi32, #tpu.memory_space<hbm>> -> memref<8x625xi32, #tpu.memory_space<hbm>>
      tpu.enqueue_dma source(%dma_start3A_108 : memref<8x625xi32, #tpu.memory_space<hbm>>) target(%arg9 : memref<8x625xi32, #tpu.memory_space<vmem>>) target_semaphore(%run_scoped3A_100 : memref<!tpu.dma_semaphore, #tpu.memory_space<semaphore_mem>>)
      %dma_wait3A_109 = arith.constant 0 : i32
      %dma_wait3A_110 = arith.constant 0 : i32
      %dma_wait3A_111 = tpu.memref_slice %arg3[%add3A, %dma_wait3A_109, %dma_wait3A_110] : memref<32x8x625xi32, #tpu.memory_space<hbm>> -> memref<1x8x625xi32, #tpu.memory_space<hbm>>
      %dma_wait3A_112 = tpu.memref_squeeze %dma_wait3A_111 : memref<1x8x625xi32, #tpu.memory_space<hbm>> -> memref<8x625xi32, #tpu.memory_space<hbm>>
      %dma_wait3A_113 = arith.constant 0 : i32
      %dma_wait3A_114 = arith.constant 0 : i32
      %dma_wait3A_115 = tpu.memref_slice %arg3[%add3A, %dma_wait3A_113, %dma_wait3A_114] : memref<32x8x625xi32, #tpu.memory_space<hbm>> -> memref<1x8x625xi32, #tpu.memory_space<hbm>>
      %dma_wait3A_116 = tpu.memref_squeeze %dma_wait3A_115 : memref<1x8x625xi32, #tpu.memory_space<hbm>> -> memref<8x625xi32, #tpu.memory_space<hbm>>
      tpu.wait_dma2 semaphore(%run_scoped3A_100 : memref<!tpu.dma_semaphore, #tpu.memory_space<semaphore_mem>>) src(%dma_wait3A_116 : memref<8x625xi32, #tpu.memory_space<hbm>>) dst(%arg9 : memref<8x625xi32, #tpu.memory_space<vmem>>)
      tpu.yield
    }) : () -> ()
    %barrier3A = arith.constant 0 : index
    tpu.barrier barrier_id(%barrier3A)
    %dma_start3A = arith.constant 0 : i32
    %dma_start3A_5 = tpu.memref_slice %arg2[%mul3A_2, %dma_start3A] : memref<160000x128xf32, #tpu.memory_space<hbm>> -> memref<625x32xf32, #tpu.memory_space<hbm>>
    %dma_start3A_6 = arith.constant 0 : i32
    %dma_start3A_7 = tpu.memref_slice %arg2[%mul3A_2, %dma_start3A_6] : memref<160000x128xf32, #tpu.memory_space<hbm>> -> memref<625x32xf32, #tpu.memory_space<hbm>>
    tpu.enqueue_dma source(%dma_start3A_7 : memref<625x32xf32, #tpu.memory_space<hbm>>) target(%arg10 : memref<625x32xf32, #tpu.memory_space<vmem>>) target_semaphore(%arg15 : memref<!tpu.dma_semaphore, #tpu.memory_space<semaphore_mem>>)
    %add3A_8 = arith.constant 625 : i32
    %add3A_9 = arith.addi %mul3A_2, %add3A_8 : i32
    %dma_start3A_10 = arith.constant 0 : i32
    %dma_start3A_11 = tpu.memref_slice %arg2[%add3A_9, %dma_start3A_10] : memref<160000x128xf32, #tpu.memory_space<hbm>> -> memref<625x32xf32, #tpu.memory_space<hbm>>
    %dma_start3A_12 = arith.constant 0 : i32
    %dma_start3A_13 = tpu.memref_slice %arg2[%add3A_9, %dma_start3A_12] : memref<160000x128xf32, #tpu.memory_space<hbm>> -> memref<625x32xf32, #tpu.memory_space<hbm>>
    tpu.enqueue_dma source(%dma_start3A_13 : memref<625x32xf32, #tpu.memory_space<hbm>>) target(%arg11 : memref<625x32xf32, #tpu.memory_space<vmem>>) target_semaphore(%arg16 : memref<!tpu.dma_semaphore, #tpu.memory_space<semaphore_mem>>)
    %dma_wait3A = arith.constant 0 : i32
    %dma_wait3A_14 = tpu.memref_slice %arg2[%mul3A_2, %dma_wait3A] : memref<160000x128xf32, #tpu.memory_space<hbm>> -> memref<625x32xf32, #tpu.memory_space<hbm>>
    %dma_wait3A_15 = arith.constant 0 : i32
    %dma_wait3A_16 = tpu.memref_slice %arg2[%mul3A_2, %dma_wait3A_15] : memref<160000x128xf32, #tpu.memory_space<hbm>> -> memref<625x32xf32, #tpu.memory_space<hbm>>
    tpu.wait_dma2 semaphore(%arg15 : memref<!tpu.dma_semaphore, #tpu.memory_space<semaphore_mem>>) src(%dma_wait3A_16 : memref<625x32xf32, #tpu.memory_space<hbm>>) dst(%arg10 : memref<625x32xf32, #tpu.memory_space<vmem>>)
    %run_scoped3A = arith.constant 0 : i32
    "tpu.region"() ({
      %run_scoped3A_100 = tpu.sem_alloc : memref<!tpu.dma_semaphore, #tpu.memory_space<semaphore_mem>>
      %dma_start3A_101 = arith.constant 0 : i32
      %dma_start3A_102 = tpu.memref_slice %arg9[%run_scoped3A, %dma_start3A_101] : memref<8x625xi32, #tpu.memory_space<vmem>> -> memref<1x625xi32, #tpu.memory_space<vmem>>
      %dma_start3A_103 = tpu.memref_squeeze %dma_start3A_102 : memref<1x625xi32, #tpu.memory_space<vmem>> -> memref<625xi32, #tpu.memory_space<vmem>>
      %dma_start3A_104 = arith.constant 0 : i32
      %dma_start3A_105 = arith.constant 0 : i32
      %dma_start3A_106 = tpu.memref_slice %arg13[%dma_start3A_104, %dma_start3A_105] : memref<10240x32xf32, #tpu.memory_space<vmem_shared>> -> memref<10240x32xf32, #tpu.memory_space<vmem_shared>>
      tpu.enqueue_indirect_dma source(%arg10 : memref<625x32xf32, #tpu.memory_space<vmem>>) target(%dma_start3A_106 : memref<10240x32xf32, #tpu.memory_space<vmem_shared>>) offsets(%dma_start3A_103 : memref<625xi32, #tpu.memory_space<vmem>>) semaphore(%run_scoped3A_100 : memref<!tpu.dma_semaphore, #tpu.memory_space<semaphore_mem>>) {add = true}
      %dma_wait3A_107 = arith.constant 0 : i32
      %dma_wait3A_108 = tpu.memref_slice %arg9[%run_scoped3A, %dma_wait3A_107] : memref<8x625xi32, #tpu.memory_space<vmem>> -> memref<1x625xi32, #tpu.memory_space<vmem>>
      %dma_wait3A_109 = tpu.memref_squeeze %dma_wait3A_108 : memref<1x625xi32, #tpu.memory_space<vmem>> -> memref<625xi32, #tpu.memory_space<vmem>>
      %dma_wait3A_110 = arith.constant 0 : i32
      %dma_wait3A_111 = arith.constant 0 : i32
      %dma_wait3A_112 = tpu.memref_slice %arg13[%dma_wait3A_110, %dma_wait3A_111] : memref<10240x32xf32, #tpu.memory_space<vmem_shared>> -> memref<10240x32xf32, #tpu.memory_space<vmem_shared>>
      tpu.wait_indirect_dma semaphore(%run_scoped3A_100 : memref<!tpu.dma_semaphore, #tpu.memory_space<semaphore_mem>>) src(%arg10 : memref<625x32xf32, #tpu.memory_space<vmem>>) dst(%dma_wait3A_112 : memref<10240x32xf32, #tpu.memory_space<vmem_shared>>)
      tpu.yield
    }) : () -> ()
    %run_scoped3A_17 = arith.constant 0 : i32
    "tpu.region"() ({
      %run_scoped3A_100 = tpu.sem_alloc : memref<!tpu.dma_semaphore, #tpu.memory_space<semaphore_mem>>
      %dma_start3A_101 = arith.constant 0 : i32
      %dma_start3A_102 = tpu.memref_slice %arg9[%run_scoped3A_17, %dma_start3A_101] : memref<8x625xi32, #tpu.memory_space<vmem>> -> memref<1x625xi32, #tpu.memory_space<vmem>>
      %dma_start3A_103 = tpu.memref_squeeze %dma_start3A_102 : memref<1x625xi32, #tpu.memory_space<vmem>> -> memref<625xi32, #tpu.memory_space<vmem>>
      %dma_start3A_104 = arith.constant 0 : i32
      %dma_start3A_105 = arith.constant 0 : i32
      %dma_start3A_106 = tpu.memref_slice %arg14[%dma_start3A_104, %dma_start3A_105] : memref<10240x16xf32, #tpu.memory_space<vmem_shared>> -> memref<10240x16xf32, #tpu.memory_space<vmem_shared>>
      tpu.enqueue_indirect_dma source(%arg12 : memref<625x16xf32, #tpu.memory_space<vmem>>) target(%dma_start3A_106 : memref<10240x16xf32, #tpu.memory_space<vmem_shared>>) offsets(%dma_start3A_103 : memref<625xi32, #tpu.memory_space<vmem>>) semaphore(%run_scoped3A_100 : memref<!tpu.dma_semaphore, #tpu.memory_space<semaphore_mem>>) {add = true}
      %dma_wait3A_107 = arith.constant 0 : i32
      %dma_wait3A_108 = tpu.memref_slice %arg9[%run_scoped3A_17, %dma_wait3A_107] : memref<8x625xi32, #tpu.memory_space<vmem>> -> memref<1x625xi32, #tpu.memory_space<vmem>>
      %dma_wait3A_109 = tpu.memref_squeeze %dma_wait3A_108 : memref<1x625xi32, #tpu.memory_space<vmem>> -> memref<625xi32, #tpu.memory_space<vmem>>
      %dma_wait3A_110 = arith.constant 0 : i32
      %dma_wait3A_111 = arith.constant 0 : i32
      %dma_wait3A_112 = tpu.memref_slice %arg14[%dma_wait3A_110, %dma_wait3A_111] : memref<10240x16xf32, #tpu.memory_space<vmem_shared>> -> memref<10240x16xf32, #tpu.memory_space<vmem_shared>>
      tpu.wait_indirect_dma semaphore(%run_scoped3A_100 : memref<!tpu.dma_semaphore, #tpu.memory_space<semaphore_mem>>) src(%arg12 : memref<625x16xf32, #tpu.memory_space<vmem>>) dst(%dma_wait3A_112 : memref<10240x16xf32, #tpu.memory_space<vmem_shared>>)
      tpu.yield
    }) : () -> ()
    %add3A_18 = arith.constant 1250 : i32
    %add3A_19 = arith.addi %mul3A_2, %add3A_18 : i32
    %dma_start3A_20 = arith.constant 0 : i32
    %dma_start3A_21 = tpu.memref_slice %arg2[%add3A_19, %dma_start3A_20] : memref<160000x128xf32, #tpu.memory_space<hbm>> -> memref<625x32xf32, #tpu.memory_space<hbm>>
    %dma_start3A_22 = arith.constant 0 : i32
    %dma_start3A_23 = tpu.memref_slice %arg2[%add3A_19, %dma_start3A_22] : memref<160000x128xf32, #tpu.memory_space<hbm>> -> memref<625x32xf32, #tpu.memory_space<hbm>>
    tpu.enqueue_dma source(%dma_start3A_23 : memref<625x32xf32, #tpu.memory_space<hbm>>) target(%arg10 : memref<625x32xf32, #tpu.memory_space<vmem>>) target_semaphore(%arg15 : memref<!tpu.dma_semaphore, #tpu.memory_space<semaphore_mem>>)
    %dma_wait3A_24 = arith.constant 0 : i32
    %dma_wait3A_25 = tpu.memref_slice %arg2[%add3A_9, %dma_wait3A_24] : memref<160000x128xf32, #tpu.memory_space<hbm>> -> memref<625x32xf32, #tpu.memory_space<hbm>>
    %dma_wait3A_26 = arith.constant 0 : i32
    %dma_wait3A_27 = tpu.memref_slice %arg2[%add3A_9, %dma_wait3A_26] : memref<160000x128xf32, #tpu.memory_space<hbm>> -> memref<625x32xf32, #tpu.memory_space<hbm>>
    tpu.wait_dma2 semaphore(%arg16 : memref<!tpu.dma_semaphore, #tpu.memory_space<semaphore_mem>>) src(%dma_wait3A_27 : memref<625x32xf32, #tpu.memory_space<hbm>>) dst(%arg11 : memref<625x32xf32, #tpu.memory_space<vmem>>)
    %run_scoped3A_28 = arith.constant 1 : i32
    "tpu.region"() ({
      %run_scoped3A_100 = tpu.sem_alloc : memref<!tpu.dma_semaphore, #tpu.memory_space<semaphore_mem>>
      %dma_start3A_101 = arith.constant 0 : i32
      %dma_start3A_102 = tpu.memref_slice %arg9[%run_scoped3A_28, %dma_start3A_101] : memref<8x625xi32, #tpu.memory_space<vmem>> -> memref<1x625xi32, #tpu.memory_space<vmem>>
      %dma_start3A_103 = tpu.memref_squeeze %dma_start3A_102 : memref<1x625xi32, #tpu.memory_space<vmem>> -> memref<625xi32, #tpu.memory_space<vmem>>
      %dma_start3A_104 = arith.constant 0 : i32
      %dma_start3A_105 = arith.constant 0 : i32
      %dma_start3A_106 = tpu.memref_slice %arg13[%dma_start3A_104, %dma_start3A_105] : memref<10240x32xf32, #tpu.memory_space<vmem_shared>> -> memref<10240x32xf32, #tpu.memory_space<vmem_shared>>
      tpu.enqueue_indirect_dma source(%arg11 : memref<625x32xf32, #tpu.memory_space<vmem>>) target(%dma_start3A_106 : memref<10240x32xf32, #tpu.memory_space<vmem_shared>>) offsets(%dma_start3A_103 : memref<625xi32, #tpu.memory_space<vmem>>) semaphore(%run_scoped3A_100 : memref<!tpu.dma_semaphore, #tpu.memory_space<semaphore_mem>>) {add = true}
      %dma_wait3A_107 = arith.constant 0 : i32
      %dma_wait3A_108 = tpu.memref_slice %arg9[%run_scoped3A_28, %dma_wait3A_107] : memref<8x625xi32, #tpu.memory_space<vmem>> -> memref<1x625xi32, #tpu.memory_space<vmem>>
      %dma_wait3A_109 = tpu.memref_squeeze %dma_wait3A_108 : memref<1x625xi32, #tpu.memory_space<vmem>> -> memref<625xi32, #tpu.memory_space<vmem>>
      %dma_wait3A_110 = arith.constant 0 : i32
      %dma_wait3A_111 = arith.constant 0 : i32
      %dma_wait3A_112 = tpu.memref_slice %arg13[%dma_wait3A_110, %dma_wait3A_111] : memref<10240x32xf32, #tpu.memory_space<vmem_shared>> -> memref<10240x32xf32, #tpu.memory_space<vmem_shared>>
      tpu.wait_indirect_dma semaphore(%run_scoped3A_100 : memref<!tpu.dma_semaphore, #tpu.memory_space<semaphore_mem>>) src(%arg11 : memref<625x32xf32, #tpu.memory_space<vmem>>) dst(%dma_wait3A_112 : memref<10240x32xf32, #tpu.memory_space<vmem_shared>>)
      tpu.yield
    }) : () -> ()
    %run_scoped3A_29 = arith.constant 1 : i32
    "tpu.region"() ({
      %run_scoped3A_100 = tpu.sem_alloc : memref<!tpu.dma_semaphore, #tpu.memory_space<semaphore_mem>>
      %dma_start3A_101 = arith.constant 0 : i32
      %dma_start3A_102 = tpu.memref_slice %arg9[%run_scoped3A_29, %dma_start3A_101] : memref<8x625xi32, #tpu.memory_space<vmem>> -> memref<1x625xi32, #tpu.memory_space<vmem>>
      %dma_start3A_103 = tpu.memref_squeeze %dma_start3A_102 : memref<1x625xi32, #tpu.memory_space<vmem>> -> memref<625xi32, #tpu.memory_space<vmem>>
      %dma_start3A_104 = arith.constant 0 : i32
      %dma_start3A_105 = arith.constant 0 : i32
      %dma_start3A_106 = tpu.memref_slice %arg14[%dma_start3A_104, %dma_start3A_105] : memref<10240x16xf32, #tpu.memory_space<vmem_shared>> -> memref<10240x16xf32, #tpu.memory_space<vmem_shared>>
      tpu.enqueue_indirect_dma source(%arg12 : memref<625x16xf32, #tpu.memory_space<vmem>>) target(%dma_start3A_106 : memref<10240x16xf32, #tpu.memory_space<vmem_shared>>) offsets(%dma_start3A_103 : memref<625xi32, #tpu.memory_space<vmem>>) semaphore(%run_scoped3A_100 : memref<!tpu.dma_semaphore, #tpu.memory_space<semaphore_mem>>) {add = true}
      %dma_wait3A_107 = arith.constant 0 : i32
      %dma_wait3A_108 = tpu.memref_slice %arg9[%run_scoped3A_29, %dma_wait3A_107] : memref<8x625xi32, #tpu.memory_space<vmem>> -> memref<1x625xi32, #tpu.memory_space<vmem>>
      %dma_wait3A_109 = tpu.memref_squeeze %dma_wait3A_108 : memref<1x625xi32, #tpu.memory_space<vmem>> -> memref<625xi32, #tpu.memory_space<vmem>>
      %dma_wait3A_110 = arith.constant 0 : i32
      %dma_wait3A_111 = arith.constant 0 : i32
      %dma_wait3A_112 = tpu.memref_slice %arg14[%dma_wait3A_110, %dma_wait3A_111] : memref<10240x16xf32, #tpu.memory_space<vmem_shared>> -> memref<10240x16xf32, #tpu.memory_space<vmem_shared>>
      tpu.wait_indirect_dma semaphore(%run_scoped3A_100 : memref<!tpu.dma_semaphore, #tpu.memory_space<semaphore_mem>>) src(%arg12 : memref<625x16xf32, #tpu.memory_space<vmem>>) dst(%dma_wait3A_112 : memref<10240x16xf32, #tpu.memory_space<vmem_shared>>)
      tpu.yield
    }) : () -> ()
    %add3A_30 = arith.constant 1875 : i32
    %add3A_31 = arith.addi %mul3A_2, %add3A_30 : i32
    %dma_start3A_32 = arith.constant 0 : i32
    %dma_start3A_33 = tpu.memref_slice %arg2[%add3A_31, %dma_start3A_32] : memref<160000x128xf32, #tpu.memory_space<hbm>> -> memref<625x32xf32, #tpu.memory_space<hbm>>
    %dma_start3A_34 = arith.constant 0 : i32
    %dma_start3A_35 = tpu.memref_slice %arg2[%add3A_31, %dma_start3A_34] : memref<160000x128xf32, #tpu.memory_space<hbm>> -> memref<625x32xf32, #tpu.memory_space<hbm>>
    tpu.enqueue_dma source(%dma_start3A_35 : memref<625x32xf32, #tpu.memory_space<hbm>>) target(%arg11 : memref<625x32xf32, #tpu.memory_space<vmem>>) target_semaphore(%arg16 : memref<!tpu.dma_semaphore, #tpu.memory_space<semaphore_mem>>)
    %dma_wait3A_36 = arith.constant 0 : i32
    %dma_wait3A_37 = tpu.memref_slice %arg2[%add3A_19, %dma_wait3A_36] : memref<160000x128xf32, #tpu.memory_space<hbm>> -> memref<625x32xf32, #tpu.memory_space<hbm>>
    %dma_wait3A_38 = arith.constant 0 : i32
    %dma_wait3A_39 = tpu.memref_slice %arg2[%add3A_19, %dma_wait3A_38] : memref<160000x128xf32, #tpu.memory_space<hbm>> -> memref<625x32xf32, #tpu.memory_space<hbm>>
    tpu.wait_dma2 semaphore(%arg15 : memref<!tpu.dma_semaphore, #tpu.memory_space<semaphore_mem>>) src(%dma_wait3A_39 : memref<625x32xf32, #tpu.memory_space<hbm>>) dst(%arg10 : memref<625x32xf32, #tpu.memory_space<vmem>>)
    %run_scoped3A_40 = arith.constant 2 : i32
    "tpu.region"() ({
      %run_scoped3A_100 = tpu.sem_alloc : memref<!tpu.dma_semaphore, #tpu.memory_space<semaphore_mem>>
      %dma_start3A_101 = arith.constant 0 : i32
      %dma_start3A_102 = tpu.memref_slice %arg9[%run_scoped3A_40, %dma_start3A_101] : memref<8x625xi32, #tpu.memory_space<vmem>> -> memref<1x625xi32, #tpu.memory_space<vmem>>
      %dma_start3A_103 = tpu.memref_squeeze %dma_start3A_102 : memref<1x625xi32, #tpu.memory_space<vmem>> -> memref<625xi32, #tpu.memory_space<vmem>>
      %dma_start3A_104 = arith.constant 0 : i32
      %dma_start3A_105 = arith.constant 0 : i32
      %dma_start3A_106 = tpu.memref_slice %arg13[%dma_start3A_104, %dma_start3A_105] : memref<10240x32xf32, #tpu.memory_space<vmem_shared>> -> memref<10240x32xf32, #tpu.memory_space<vmem_shared>>
      tpu.enqueue_indirect_dma source(%arg10 : memref<625x32xf32, #tpu.memory_space<vmem>>) target(%dma_start3A_106 : memref<10240x32xf32, #tpu.memory_space<vmem_shared>>) offsets(%dma_start3A_103 : memref<625xi32, #tpu.memory_space<vmem>>) semaphore(%run_scoped3A_100 : memref<!tpu.dma_semaphore, #tpu.memory_space<semaphore_mem>>) {add = true}
      %dma_wait3A_107 = arith.constant 0 : i32
      %dma_wait3A_108 = tpu.memref_slice %arg9[%run_scoped3A_40, %dma_wait3A_107] : memref<8x625xi32, #tpu.memory_space<vmem>> -> memref<1x625xi32, #tpu.memory_space<vmem>>
      %dma_wait3A_109 = tpu.memref_squeeze %dma_wait3A_108 : memref<1x625xi32, #tpu.memory_space<vmem>> -> memref<625xi32, #tpu.memory_space<vmem>>
      %dma_wait3A_110 = arith.constant 0 : i32
      %dma_wait3A_111 = arith.constant 0 : i32
      %dma_wait3A_112 = tpu.memref_slice %arg13[%dma_wait3A_110, %dma_wait3A_111] : memref<10240x32xf32, #tpu.memory_space<vmem_shared>> -> memref<10240x32xf32, #tpu.memory_space<vmem_shared>>
      tpu.wait_indirect_dma semaphore(%run_scoped3A_100 : memref<!tpu.dma_semaphore, #tpu.memory_space<semaphore_mem>>) src(%arg10 : memref<625x32xf32, #tpu.memory_space<vmem>>) dst(%dma_wait3A_112 : memref<10240x32xf32, #tpu.memory_space<vmem_shared>>)
      tpu.yield
    }) : () -> ()
    %run_scoped3A_41 = arith.constant 2 : i32
    "tpu.region"() ({
      %run_scoped3A_100 = tpu.sem_alloc : memref<!tpu.dma_semaphore, #tpu.memory_space<semaphore_mem>>
      %dma_start3A_101 = arith.constant 0 : i32
      %dma_start3A_102 = tpu.memref_slice %arg9[%run_scoped3A_41, %dma_start3A_101] : memref<8x625xi32, #tpu.memory_space<vmem>> -> memref<1x625xi32, #tpu.memory_space<vmem>>
      %dma_start3A_103 = tpu.memref_squeeze %dma_start3A_102 : memref<1x625xi32, #tpu.memory_space<vmem>> -> memref<625xi32, #tpu.memory_space<vmem>>
      %dma_start3A_104 = arith.constant 0 : i32
      %dma_start3A_105 = arith.constant 0 : i32
      %dma_start3A_106 = tpu.memref_slice %arg14[%dma_start3A_104, %dma_start3A_105] : memref<10240x16xf32, #tpu.memory_space<vmem_shared>> -> memref<10240x16xf32, #tpu.memory_space<vmem_shared>>
      tpu.enqueue_indirect_dma source(%arg12 : memref<625x16xf32, #tpu.memory_space<vmem>>) target(%dma_start3A_106 : memref<10240x16xf32, #tpu.memory_space<vmem_shared>>) offsets(%dma_start3A_103 : memref<625xi32, #tpu.memory_space<vmem>>) semaphore(%run_scoped3A_100 : memref<!tpu.dma_semaphore, #tpu.memory_space<semaphore_mem>>) {add = true}
      %dma_wait3A_107 = arith.constant 0 : i32
      %dma_wait3A_108 = tpu.memref_slice %arg9[%run_scoped3A_41, %dma_wait3A_107] : memref<8x625xi32, #tpu.memory_space<vmem>> -> memref<1x625xi32, #tpu.memory_space<vmem>>
      %dma_wait3A_109 = tpu.memref_squeeze %dma_wait3A_108 : memref<1x625xi32, #tpu.memory_space<vmem>> -> memref<625xi32, #tpu.memory_space<vmem>>
      %dma_wait3A_110 = arith.constant 0 : i32
      %dma_wait3A_111 = arith.constant 0 : i32
      %dma_wait3A_112 = tpu.memref_slice %arg14[%dma_wait3A_110, %dma_wait3A_111] : memref<10240x16xf32, #tpu.memory_space<vmem_shared>> -> memref<10240x16xf32, #tpu.memory_space<vmem_shared>>
      tpu.wait_indirect_dma semaphore(%run_scoped3A_100 : memref<!tpu.dma_semaphore, #tpu.memory_space<semaphore_mem>>) src(%arg12 : memref<625x16xf32, #tpu.memory_space<vmem>>) dst(%dma_wait3A_112 : memref<10240x16xf32, #tpu.memory_space<vmem_shared>>)
      tpu.yield
    }) : () -> ()
    %add3A_42 = arith.constant 2500 : i32
    %add3A_43 = arith.addi %mul3A_2, %add3A_42 : i32
    %dma_start3A_44 = arith.constant 0 : i32
    %dma_start3A_45 = tpu.memref_slice %arg2[%add3A_43, %dma_start3A_44] : memref<160000x128xf32, #tpu.memory_space<hbm>> -> memref<625x32xf32, #tpu.memory_space<hbm>>
    %dma_start3A_46 = arith.constant 0 : i32
    %dma_start3A_47 = tpu.memref_slice %arg2[%add3A_43, %dma_start3A_46] : memref<160000x128xf32, #tpu.memory_space<hbm>> -> memref<625x32xf32, #tpu.memory_space<hbm>>
    tpu.enqueue_dma source(%dma_start3A_47 : memref<625x32xf32, #tpu.memory_space<hbm>>) target(%arg10 : memref<625x32xf32, #tpu.memory_space<vmem>>) target_semaphore(%arg15 : memref<!tpu.dma_semaphore, #tpu.memory_space<semaphore_mem>>)
    %dma_wait3A_48 = arith.constant 0 : i32
    %dma_wait3A_49 = tpu.memref_slice %arg2[%add3A_31, %dma_wait3A_48] : memref<160000x128xf32, #tpu.memory_space<hbm>> -> memref<625x32xf32, #tpu.memory_space<hbm>>
    %dma_wait3A_50 = arith.constant 0 : i32
    %dma_wait3A_51 = tpu.memref_slice %arg2[%add3A_31, %dma_wait3A_50] : memref<160000x128xf32, #tpu.memory_space<hbm>> -> memref<625x32xf32, #tpu.memory_space<hbm>>
    tpu.wait_dma2 semaphore(%arg16 : memref<!tpu.dma_semaphore, #tpu.memory_space<semaphore_mem>>) src(%dma_wait3A_51 : memref<625x32xf32, #tpu.memory_space<hbm>>) dst(%arg11 : memref<625x32xf32, #tpu.memory_space<vmem>>)
    %run_scoped3A_52 = arith.constant 3 : i32
    "tpu.region"() ({
      %run_scoped3A_100 = tpu.sem_alloc : memref<!tpu.dma_semaphore, #tpu.memory_space<semaphore_mem>>
      %dma_start3A_101 = arith.constant 0 : i32
      %dma_start3A_102 = tpu.memref_slice %arg9[%run_scoped3A_52, %dma_start3A_101] : memref<8x625xi32, #tpu.memory_space<vmem>> -> memref<1x625xi32, #tpu.memory_space<vmem>>
      %dma_start3A_103 = tpu.memref_squeeze %dma_start3A_102 : memref<1x625xi32, #tpu.memory_space<vmem>> -> memref<625xi32, #tpu.memory_space<vmem>>
      %dma_start3A_104 = arith.constant 0 : i32
      %dma_start3A_105 = arith.constant 0 : i32
      %dma_start3A_106 = tpu.memref_slice %arg13[%dma_start3A_104, %dma_start3A_105] : memref<10240x32xf32, #tpu.memory_space<vmem_shared>> -> memref<10240x32xf32, #tpu.memory_space<vmem_shared>>
      tpu.enqueue_indirect_dma source(%arg11 : memref<625x32xf32, #tpu.memory_space<vmem>>) target(%dma_start3A_106 : memref<10240x32xf32, #tpu.memory_space<vmem_shared>>) offsets(%dma_start3A_103 : memref<625xi32, #tpu.memory_space<vmem>>) semaphore(%run_scoped3A_100 : memref<!tpu.dma_semaphore, #tpu.memory_space<semaphore_mem>>) {add = true}
      %dma_wait3A_107 = arith.constant 0 : i32
      %dma_wait3A_108 = tpu.memref_slice %arg9[%run_scoped3A_52, %dma_wait3A_107] : memref<8x625xi32, #tpu.memory_space<vmem>> -> memref<1x625xi32, #tpu.memory_space<vmem>>
      %dma_wait3A_109 = tpu.memref_squeeze %dma_wait3A_108 : memref<1x625xi32, #tpu.memory_space<vmem>> -> memref<625xi32, #tpu.memory_space<vmem>>
      %dma_wait3A_110 = arith.constant 0 : i32
      %dma_wait3A_111 = arith.constant 0 : i32
      %dma_wait3A_112 = tpu.memref_slice %arg13[%dma_wait3A_110, %dma_wait3A_111] : memref<10240x32xf32, #tpu.memory_space<vmem_shared>> -> memref<10240x32xf32, #tpu.memory_space<vmem_shared>>
      tpu.wait_indirect_dma semaphore(%run_scoped3A_100 : memref<!tpu.dma_semaphore, #tpu.memory_space<semaphore_mem>>) src(%arg11 : memref<625x32xf32, #tpu.memory_space<vmem>>) dst(%dma_wait3A_112 : memref<10240x32xf32, #tpu.memory_space<vmem_shared>>)
      tpu.yield
    }) : () -> ()
    %run_scoped3A_53 = arith.constant 3 : i32
    "tpu.region"() ({
      %run_scoped3A_100 = tpu.sem_alloc : memref<!tpu.dma_semaphore, #tpu.memory_space<semaphore_mem>>
      %dma_start3A_101 = arith.constant 0 : i32
      %dma_start3A_102 = tpu.memref_slice %arg9[%run_scoped3A_53, %dma_start3A_101] : memref<8x625xi32, #tpu.memory_space<vmem>> -> memref<1x625xi32, #tpu.memory_space<vmem>>
      %dma_start3A_103 = tpu.memref_squeeze %dma_start3A_102 : memref<1x625xi32, #tpu.memory_space<vmem>> -> memref<625xi32, #tpu.memory_space<vmem>>
      %dma_start3A_104 = arith.constant 0 : i32
      %dma_start3A_105 = arith.constant 0 : i32
      %dma_start3A_106 = tpu.memref_slice %arg14[%dma_start3A_104, %dma_start3A_105] : memref<10240x16xf32, #tpu.memory_space<vmem_shared>> -> memref<10240x16xf32, #tpu.memory_space<vmem_shared>>
      tpu.enqueue_indirect_dma source(%arg12 : memref<625x16xf32, #tpu.memory_space<vmem>>) target(%dma_start3A_106 : memref<10240x16xf32, #tpu.memory_space<vmem_shared>>) offsets(%dma_start3A_103 : memref<625xi32, #tpu.memory_space<vmem>>) semaphore(%run_scoped3A_100 : memref<!tpu.dma_semaphore, #tpu.memory_space<semaphore_mem>>) {add = true}
      %dma_wait3A_107 = arith.constant 0 : i32
      %dma_wait3A_108 = tpu.memref_slice %arg9[%run_scoped3A_53, %dma_wait3A_107] : memref<8x625xi32, #tpu.memory_space<vmem>> -> memref<1x625xi32, #tpu.memory_space<vmem>>
      %dma_wait3A_109 = tpu.memref_squeeze %dma_wait3A_108 : memref<1x625xi32, #tpu.memory_space<vmem>> -> memref<625xi32, #tpu.memory_space<vmem>>
      %dma_wait3A_110 = arith.constant 0 : i32
      %dma_wait3A_111 = arith.constant 0 : i32
      %dma_wait3A_112 = tpu.memref_slice %arg14[%dma_wait3A_110, %dma_wait3A_111] : memref<10240x16xf32, #tpu.memory_space<vmem_shared>> -> memref<10240x16xf32, #tpu.memory_space<vmem_shared>>
      tpu.wait_indirect_dma semaphore(%run_scoped3A_100 : memref<!tpu.dma_semaphore, #tpu.memory_space<semaphore_mem>>) src(%arg12 : memref<625x16xf32, #tpu.memory_space<vmem>>) dst(%dma_wait3A_112 : memref<10240x16xf32, #tpu.memory_space<vmem_shared>>)
      tpu.yield
    }) : () -> ()
    %add3A_54 = arith.constant 3125 : i32
    %add3A_55 = arith.addi %mul3A_2, %add3A_54 : i32
    %dma_start3A_56 = arith.constant 0 : i32
    %dma_start3A_57 = tpu.memref_slice %arg2[%add3A_55, %dma_start3A_56] : memref<160000x128xf32, #tpu.memory_space<hbm>> -> memref<625x32xf32, #tpu.memory_space<hbm>>
    %dma_start3A_58 = arith.constant 0 : i32
    %dma_start3A_59 = tpu.memref_slice %arg2[%add3A_55, %dma_start3A_58] : memref<160000x128xf32, #tpu.memory_space<hbm>> -> memref<625x32xf32, #tpu.memory_space<hbm>>
    tpu.enqueue_dma source(%dma_start3A_59 : memref<625x32xf32, #tpu.memory_space<hbm>>) target(%arg11 : memref<625x32xf32, #tpu.memory_space<vmem>>) target_semaphore(%arg16 : memref<!tpu.dma_semaphore, #tpu.memory_space<semaphore_mem>>)
    %dma_wait3A_60 = arith.constant 0 : i32
    %dma_wait3A_61 = tpu.memref_slice %arg2[%add3A_43, %dma_wait3A_60] : memref<160000x128xf32, #tpu.memory_space<hbm>> -> memref<625x32xf32, #tpu.memory_space<hbm>>
    %dma_wait3A_62 = arith.constant 0 : i32
    %dma_wait3A_63 = tpu.memref_slice %arg2[%add3A_43, %dma_wait3A_62] : memref<160000x128xf32, #tpu.memory_space<hbm>> -> memref<625x32xf32, #tpu.memory_space<hbm>>
    tpu.wait_dma2 semaphore(%arg15 : memref<!tpu.dma_semaphore, #tpu.memory_space<semaphore_mem>>) src(%dma_wait3A_63 : memref<625x32xf32, #tpu.memory_space<hbm>>) dst(%arg10 : memref<625x32xf32, #tpu.memory_space<vmem>>)
    %run_scoped3A_64 = arith.constant 4 : i32
    "tpu.region"() ({
      %run_scoped3A_100 = tpu.sem_alloc : memref<!tpu.dma_semaphore, #tpu.memory_space<semaphore_mem>>
      %dma_start3A_101 = arith.constant 0 : i32
      %dma_start3A_102 = tpu.memref_slice %arg9[%run_scoped3A_64, %dma_start3A_101] : memref<8x625xi32, #tpu.memory_space<vmem>> -> memref<1x625xi32, #tpu.memory_space<vmem>>
      %dma_start3A_103 = tpu.memref_squeeze %dma_start3A_102 : memref<1x625xi32, #tpu.memory_space<vmem>> -> memref<625xi32, #tpu.memory_space<vmem>>
      %dma_start3A_104 = arith.constant 0 : i32
      %dma_start3A_105 = arith.constant 0 : i32
      %dma_start3A_106 = tpu.memref_slice %arg13[%dma_start3A_104, %dma_start3A_105] : memref<10240x32xf32, #tpu.memory_space<vmem_shared>> -> memref<10240x32xf32, #tpu.memory_space<vmem_shared>>
      tpu.enqueue_indirect_dma source(%arg10 : memref<625x32xf32, #tpu.memory_space<vmem>>) target(%dma_start3A_106 : memref<10240x32xf32, #tpu.memory_space<vmem_shared>>) offsets(%dma_start3A_103 : memref<625xi32, #tpu.memory_space<vmem>>) semaphore(%run_scoped3A_100 : memref<!tpu.dma_semaphore, #tpu.memory_space<semaphore_mem>>) {add = true}
      %dma_wait3A_107 = arith.constant 0 : i32
      %dma_wait3A_108 = tpu.memref_slice %arg9[%run_scoped3A_64, %dma_wait3A_107] : memref<8x625xi32, #tpu.memory_space<vmem>> -> memref<1x625xi32, #tpu.memory_space<vmem>>
      %dma_wait3A_109 = tpu.memref_squeeze %dma_wait3A_108 : memref<1x625xi32, #tpu.memory_space<vmem>> -> memref<625xi32, #tpu.memory_space<vmem>>
      %dma_wait3A_110 = arith.constant 0 : i32
      %dma_wait3A_111 = arith.constant 0 : i32
      %dma_wait3A_112 = tpu.memref_slice %arg13[%dma_wait3A_110, %dma_wait3A_111] : memref<10240x32xf32, #tpu.memory_space<vmem_shared>> -> memref<10240x32xf32, #tpu.memory_space<vmem_shared>>
      tpu.wait_indirect_dma semaphore(%run_scoped3A_100 : memref<!tpu.dma_semaphore, #tpu.memory_space<semaphore_mem>>) src(%arg10 : memref<625x32xf32, #tpu.memory_space<vmem>>) dst(%dma_wait3A_112 : memref<10240x32xf32, #tpu.memory_space<vmem_shared>>)
      tpu.yield
    }) : () -> ()
    %run_scoped3A_65 = arith.constant 4 : i32
    "tpu.region"() ({
      %run_scoped3A_100 = tpu.sem_alloc : memref<!tpu.dma_semaphore, #tpu.memory_space<semaphore_mem>>
      %dma_start3A_101 = arith.constant 0 : i32
      %dma_start3A_102 = tpu.memref_slice %arg9[%run_scoped3A_65, %dma_start3A_101] : memref<8x625xi32, #tpu.memory_space<vmem>> -> memref<1x625xi32, #tpu.memory_space<vmem>>
      %dma_start3A_103 = tpu.memref_squeeze %dma_start3A_102 : memref<1x625xi32, #tpu.memory_space<vmem>> -> memref<625xi32, #tpu.memory_space<vmem>>
      %dma_start3A_104 = arith.constant 0 : i32
      %dma_start3A_105 = arith.constant 0 : i32
      %dma_start3A_106 = tpu.memref_slice %arg14[%dma_start3A_104, %dma_start3A_105] : memref<10240x16xf32, #tpu.memory_space<vmem_shared>> -> memref<10240x16xf32, #tpu.memory_space<vmem_shared>>
      tpu.enqueue_indirect_dma source(%arg12 : memref<625x16xf32, #tpu.memory_space<vmem>>) target(%dma_start3A_106 : memref<10240x16xf32, #tpu.memory_space<vmem_shared>>) offsets(%dma_start3A_103 : memref<625xi32, #tpu.memory_space<vmem>>) semaphore(%run_scoped3A_100 : memref<!tpu.dma_semaphore, #tpu.memory_space<semaphore_mem>>) {add = true}
      %dma_wait3A_107 = arith.constant 0 : i32
      %dma_wait3A_108 = tpu.memref_slice %arg9[%run_scoped3A_65, %dma_wait3A_107] : memref<8x625xi32, #tpu.memory_space<vmem>> -> memref<1x625xi32, #tpu.memory_space<vmem>>
      %dma_wait3A_109 = tpu.memref_squeeze %dma_wait3A_108 : memref<1x625xi32, #tpu.memory_space<vmem>> -> memref<625xi32, #tpu.memory_space<vmem>>
      %dma_wait3A_110 = arith.constant 0 : i32
      %dma_wait3A_111 = arith.constant 0 : i32
      %dma_wait3A_112 = tpu.memref_slice %arg14[%dma_wait3A_110, %dma_wait3A_111] : memref<10240x16xf32, #tpu.memory_space<vmem_shared>> -> memref<10240x16xf32, #tpu.memory_space<vmem_shared>>
      tpu.wait_indirect_dma semaphore(%run_scoped3A_100 : memref<!tpu.dma_semaphore, #tpu.memory_space<semaphore_mem>>) src(%arg12 : memref<625x16xf32, #tpu.memory_space<vmem>>) dst(%dma_wait3A_112 : memref<10240x16xf32, #tpu.memory_space<vmem_shared>>)
      tpu.yield
    }) : () -> ()
    %add3A_66 = arith.constant 3750 : i32
    %add3A_67 = arith.addi %mul3A_2, %add3A_66 : i32
    %dma_start3A_68 = arith.constant 0 : i32
    %dma_start3A_69 = tpu.memref_slice %arg2[%add3A_67, %dma_start3A_68] : memref<160000x128xf32, #tpu.memory_space<hbm>> -> memref<625x32xf32, #tpu.memory_space<hbm>>
    %dma_start3A_70 = arith.constant 0 : i32
    %dma_start3A_71 = tpu.memref_slice %arg2[%add3A_67, %dma_start3A_70] : memref<160000x128xf32, #tpu.memory_space<hbm>> -> memref<625x32xf32, #tpu.memory_space<hbm>>
    tpu.enqueue_dma source(%dma_start3A_71 : memref<625x32xf32, #tpu.memory_space<hbm>>) target(%arg10 : memref<625x32xf32, #tpu.memory_space<vmem>>) target_semaphore(%arg15 : memref<!tpu.dma_semaphore, #tpu.memory_space<semaphore_mem>>)
    %dma_wait3A_72 = arith.constant 0 : i32
    %dma_wait3A_73 = tpu.memref_slice %arg2[%add3A_55, %dma_wait3A_72] : memref<160000x128xf32, #tpu.memory_space<hbm>> -> memref<625x32xf32, #tpu.memory_space<hbm>>
    %dma_wait3A_74 = arith.constant 0 : i32
    %dma_wait3A_75 = tpu.memref_slice %arg2[%add3A_55, %dma_wait3A_74] : memref<160000x128xf32, #tpu.memory_space<hbm>> -> memref<625x32xf32, #tpu.memory_space<hbm>>
    tpu.wait_dma2 semaphore(%arg16 : memref<!tpu.dma_semaphore, #tpu.memory_space<semaphore_mem>>) src(%dma_wait3A_75 : memref<625x32xf32, #tpu.memory_space<hbm>>) dst(%arg11 : memref<625x32xf32, #tpu.memory_space<vmem>>)
    %run_scoped3A_76 = arith.constant 5 : i32
    "tpu.region"() ({
      %run_scoped3A_100 = tpu.sem_alloc : memref<!tpu.dma_semaphore, #tpu.memory_space<semaphore_mem>>
      %dma_start3A_101 = arith.constant 0 : i32
      %dma_start3A_102 = tpu.memref_slice %arg9[%run_scoped3A_76, %dma_start3A_101] : memref<8x625xi32, #tpu.memory_space<vmem>> -> memref<1x625xi32, #tpu.memory_space<vmem>>
      %dma_start3A_103 = tpu.memref_squeeze %dma_start3A_102 : memref<1x625xi32, #tpu.memory_space<vmem>> -> memref<625xi32, #tpu.memory_space<vmem>>
      %dma_start3A_104 = arith.constant 0 : i32
      %dma_start3A_105 = arith.constant 0 : i32
      %dma_start3A_106 = tpu.memref_slice %arg13[%dma_start3A_104, %dma_start3A_105] : memref<10240x32xf32, #tpu.memory_space<vmem_shared>> -> memref<10240x32xf32, #tpu.memory_space<vmem_shared>>
      tpu.enqueue_indirect_dma source(%arg11 : memref<625x32xf32, #tpu.memory_space<vmem>>) target(%dma_start3A_106 : memref<10240x32xf32, #tpu.memory_space<vmem_shared>>) offsets(%dma_start3A_103 : memref<625xi32, #tpu.memory_space<vmem>>) semaphore(%run_scoped3A_100 : memref<!tpu.dma_semaphore, #tpu.memory_space<semaphore_mem>>) {add = true}
      %dma_wait3A_107 = arith.constant 0 : i32
      %dma_wait3A_108 = tpu.memref_slice %arg9[%run_scoped3A_76, %dma_wait3A_107] : memref<8x625xi32, #tpu.memory_space<vmem>> -> memref<1x625xi32, #tpu.memory_space<vmem>>
      %dma_wait3A_109 = tpu.memref_squeeze %dma_wait3A_108 : memref<1x625xi32, #tpu.memory_space<vmem>> -> memref<625xi32, #tpu.memory_space<vmem>>
      %dma_wait3A_110 = arith.constant 0 : i32
      %dma_wait3A_111 = arith.constant 0 : i32
      %dma_wait3A_112 = tpu.memref_slice %arg13[%dma_wait3A_110, %dma_wait3A_111] : memref<10240x32xf32, #tpu.memory_space<vmem_shared>> -> memref<10240x32xf32, #tpu.memory_space<vmem_shared>>
      tpu.wait_indirect_dma semaphore(%run_scoped3A_100 : memref<!tpu.dma_semaphore, #tpu.memory_space<semaphore_mem>>) src(%arg11 : memref<625x32xf32, #tpu.memory_space<vmem>>) dst(%dma_wait3A_112 : memref<10240x32xf32, #tpu.memory_space<vmem_shared>>)
      tpu.yield
    }) : () -> ()
    %run_scoped3A_77 = arith.constant 5 : i32
    "tpu.region"() ({
      %run_scoped3A_100 = tpu.sem_alloc : memref<!tpu.dma_semaphore, #tpu.memory_space<semaphore_mem>>
      %dma_start3A_101 = arith.constant 0 : i32
      %dma_start3A_102 = tpu.memref_slice %arg9[%run_scoped3A_77, %dma_start3A_101] : memref<8x625xi32, #tpu.memory_space<vmem>> -> memref<1x625xi32, #tpu.memory_space<vmem>>
      %dma_start3A_103 = tpu.memref_squeeze %dma_start3A_102 : memref<1x625xi32, #tpu.memory_space<vmem>> -> memref<625xi32, #tpu.memory_space<vmem>>
      %dma_start3A_104 = arith.constant 0 : i32
      %dma_start3A_105 = arith.constant 0 : i32
      %dma_start3A_106 = tpu.memref_slice %arg14[%dma_start3A_104, %dma_start3A_105] : memref<10240x16xf32, #tpu.memory_space<vmem_shared>> -> memref<10240x16xf32, #tpu.memory_space<vmem_shared>>
      tpu.enqueue_indirect_dma source(%arg12 : memref<625x16xf32, #tpu.memory_space<vmem>>) target(%dma_start3A_106 : memref<10240x16xf32, #tpu.memory_space<vmem_shared>>) offsets(%dma_start3A_103 : memref<625xi32, #tpu.memory_space<vmem>>) semaphore(%run_scoped3A_100 : memref<!tpu.dma_semaphore, #tpu.memory_space<semaphore_mem>>) {add = true}
      %dma_wait3A_107 = arith.constant 0 : i32
      %dma_wait3A_108 = tpu.memref_slice %arg9[%run_scoped3A_77, %dma_wait3A_107] : memref<8x625xi32, #tpu.memory_space<vmem>> -> memref<1x625xi32, #tpu.memory_space<vmem>>
      %dma_wait3A_109 = tpu.memref_squeeze %dma_wait3A_108 : memref<1x625xi32, #tpu.memory_space<vmem>> -> memref<625xi32, #tpu.memory_space<vmem>>
      %dma_wait3A_110 = arith.constant 0 : i32
      %dma_wait3A_111 = arith.constant 0 : i32
      %dma_wait3A_112 = tpu.memref_slice %arg14[%dma_wait3A_110, %dma_wait3A_111] : memref<10240x16xf32, #tpu.memory_space<vmem_shared>> -> memref<10240x16xf32, #tpu.memory_space<vmem_shared>>
      tpu.wait_indirect_dma semaphore(%run_scoped3A_100 : memref<!tpu.dma_semaphore, #tpu.memory_space<semaphore_mem>>) src(%arg12 : memref<625x16xf32, #tpu.memory_space<vmem>>) dst(%dma_wait3A_112 : memref<10240x16xf32, #tpu.memory_space<vmem_shared>>)
      tpu.yield
    }) : () -> ()
    %add3A_78 = arith.constant 4375 : i32
    %add3A_79 = arith.addi %mul3A_2, %add3A_78 : i32
    %dma_start3A_80 = arith.constant 0 : i32
    %dma_start3A_81 = tpu.memref_slice %arg2[%add3A_79, %dma_start3A_80] : memref<160000x128xf32, #tpu.memory_space<hbm>> -> memref<625x32xf32, #tpu.memory_space<hbm>>
    %dma_start3A_82 = arith.constant 0 : i32
    %dma_start3A_83 = tpu.memref_slice %arg2[%add3A_79, %dma_start3A_82] : memref<160000x128xf32, #tpu.memory_space<hbm>> -> memref<625x32xf32, #tpu.memory_space<hbm>>
    tpu.enqueue_dma source(%dma_start3A_83 : memref<625x32xf32, #tpu.memory_space<hbm>>) target(%arg11 : memref<625x32xf32, #tpu.memory_space<vmem>>) target_semaphore(%arg16 : memref<!tpu.dma_semaphore, #tpu.memory_space<semaphore_mem>>)
    %dma_wait3A_84 = arith.constant 0 : i32
    %dma_wait3A_85 = tpu.memref_slice %arg2[%add3A_67, %dma_wait3A_84] : memref<160000x128xf32, #tpu.memory_space<hbm>> -> memref<625x32xf32, #tpu.memory_space<hbm>>
    %dma_wait3A_86 = arith.constant 0 : i32
    %dma_wait3A_87 = tpu.memref_slice %arg2[%add3A_67, %dma_wait3A_86] : memref<160000x128xf32, #tpu.memory_space<hbm>> -> memref<625x32xf32, #tpu.memory_space<hbm>>
    tpu.wait_dma2 semaphore(%arg15 : memref<!tpu.dma_semaphore, #tpu.memory_space<semaphore_mem>>) src(%dma_wait3A_87 : memref<625x32xf32, #tpu.memory_space<hbm>>) dst(%arg10 : memref<625x32xf32, #tpu.memory_space<vmem>>)
    %run_scoped3A_88 = arith.constant 6 : i32
    "tpu.region"() ({
      %run_scoped3A_100 = tpu.sem_alloc : memref<!tpu.dma_semaphore, #tpu.memory_space<semaphore_mem>>
      %dma_start3A_101 = arith.constant 0 : i32
      %dma_start3A_102 = tpu.memref_slice %arg9[%run_scoped3A_88, %dma_start3A_101] : memref<8x625xi32, #tpu.memory_space<vmem>> -> memref<1x625xi32, #tpu.memory_space<vmem>>
      %dma_start3A_103 = tpu.memref_squeeze %dma_start3A_102 : memref<1x625xi32, #tpu.memory_space<vmem>> -> memref<625xi32, #tpu.memory_space<vmem>>
      %dma_start3A_104 = arith.constant 0 : i32
      %dma_start3A_105 = arith.constant 0 : i32
      %dma_start3A_106 = tpu.memref_slice %arg13[%dma_start3A_104, %dma_start3A_105] : memref<10240x32xf32, #tpu.memory_space<vmem_shared>> -> memref<10240x32xf32, #tpu.memory_space<vmem_shared>>
      tpu.enqueue_indirect_dma source(%arg10 : memref<625x32xf32, #tpu.memory_space<vmem>>) target(%dma_start3A_106 : memref<10240x32xf32, #tpu.memory_space<vmem_shared>>) offsets(%dma_start3A_103 : memref<625xi32, #tpu.memory_space<vmem>>) semaphore(%run_scoped3A_100 : memref<!tpu.dma_semaphore, #tpu.memory_space<semaphore_mem>>) {add = true}
      %dma_wait3A_107 = arith.constant 0 : i32
      %dma_wait3A_108 = tpu.memref_slice %arg9[%run_scoped3A_88, %dma_wait3A_107] : memref<8x625xi32, #tpu.memory_space<vmem>> -> memref<1x625xi32, #tpu.memory_space<vmem>>
      %dma_wait3A_109 = tpu.memref_squeeze %dma_wait3A_108 : memref<1x625xi32, #tpu.memory_space<vmem>> -> memref<625xi32, #tpu.memory_space<vmem>>
      %dma_wait3A_110 = arith.constant 0 : i32
      %dma_wait3A_111 = arith.constant 0 : i32
      %dma_wait3A_112 = tpu.memref_slice %arg13[%dma_wait3A_110, %dma_wait3A_111] : memref<10240x32xf32, #tpu.memory_space<vmem_shared>> -> memref<10240x32xf32, #tpu.memory_space<vmem_shared>>
      tpu.wait_indirect_dma semaphore(%run_scoped3A_100 : memref<!tpu.dma_semaphore, #tpu.memory_space<semaphore_mem>>) src(%arg10 : memref<625x32xf32, #tpu.memory_space<vmem>>) dst(%dma_wait3A_112 : memref<10240x32xf32, #tpu.memory_space<vmem_shared>>)
      tpu.yield
    }) : () -> ()
    %run_scoped3A_89 = arith.constant 6 : i32
    "tpu.region"() ({
      %run_scoped3A_100 = tpu.sem_alloc : memref<!tpu.dma_semaphore, #tpu.memory_space<semaphore_mem>>
      %dma_start3A_101 = arith.constant 0 : i32
      %dma_start3A_102 = tpu.memref_slice %arg9[%run_scoped3A_89, %dma_start3A_101] : memref<8x625xi32, #tpu.memory_space<vmem>> -> memref<1x625xi32, #tpu.memory_space<vmem>>
      %dma_start3A_103 = tpu.memref_squeeze %dma_start3A_102 : memref<1x625xi32, #tpu.memory_space<vmem>> -> memref<625xi32, #tpu.memory_space<vmem>>
      %dma_start3A_104 = arith.constant 0 : i32
      %dma_start3A_105 = arith.constant 0 : i32
      %dma_start3A_106 = tpu.memref_slice %arg14[%dma_start3A_104, %dma_start3A_105] : memref<10240x16xf32, #tpu.memory_space<vmem_shared>> -> memref<10240x16xf32, #tpu.memory_space<vmem_shared>>
      tpu.enqueue_indirect_dma source(%arg12 : memref<625x16xf32, #tpu.memory_space<vmem>>) target(%dma_start3A_106 : memref<10240x16xf32, #tpu.memory_space<vmem_shared>>) offsets(%dma_start3A_103 : memref<625xi32, #tpu.memory_space<vmem>>) semaphore(%run_scoped3A_100 : memref<!tpu.dma_semaphore, #tpu.memory_space<semaphore_mem>>) {add = true}
      %dma_wait3A_107 = arith.constant 0 : i32
      %dma_wait3A_108 = tpu.memref_slice %arg9[%run_scoped3A_89, %dma_wait3A_107] : memref<8x625xi32, #tpu.memory_space<vmem>> -> memref<1x625xi32, #tpu.memory_space<vmem>>
      %dma_wait3A_109 = tpu.memref_squeeze %dma_wait3A_108 : memref<1x625xi32, #tpu.memory_space<vmem>> -> memref<625xi32, #tpu.memory_space<vmem>>
      %dma_wait3A_110 = arith.constant 0 : i32
      %dma_wait3A_111 = arith.constant 0 : i32
      %dma_wait3A_112 = tpu.memref_slice %arg14[%dma_wait3A_110, %dma_wait3A_111] : memref<10240x16xf32, #tpu.memory_space<vmem_shared>> -> memref<10240x16xf32, #tpu.memory_space<vmem_shared>>
      tpu.wait_indirect_dma semaphore(%run_scoped3A_100 : memref<!tpu.dma_semaphore, #tpu.memory_space<semaphore_mem>>) src(%arg12 : memref<625x16xf32, #tpu.memory_space<vmem>>) dst(%dma_wait3A_112 : memref<10240x16xf32, #tpu.memory_space<vmem_shared>>)
      tpu.yield
    }) : () -> ()
    %dma_wait3A_90 = arith.constant 0 : i32
    %dma_wait3A_91 = tpu.memref_slice %arg2[%add3A_79, %dma_wait3A_90] : memref<160000x128xf32, #tpu.memory_space<hbm>> -> memref<625x32xf32, #tpu.memory_space<hbm>>
    %dma_wait3A_92 = arith.constant 0 : i32
    %dma_wait3A_93 = tpu.memref_slice %arg2[%add3A_79, %dma_wait3A_92] : memref<160000x128xf32, #tpu.memory_space<hbm>> -> memref<625x32xf32, #tpu.memory_space<hbm>>
    tpu.wait_dma2 semaphore(%arg16 : memref<!tpu.dma_semaphore, #tpu.memory_space<semaphore_mem>>) src(%dma_wait3A_93 : memref<625x32xf32, #tpu.memory_space<hbm>>) dst(%arg11 : memref<625x32xf32, #tpu.memory_space<vmem>>)
    %run_scoped3A_94 = arith.constant 7 : i32
    "tpu.region"() ({
      %run_scoped3A_100 = tpu.sem_alloc : memref<!tpu.dma_semaphore, #tpu.memory_space<semaphore_mem>>
      %dma_start3A_101 = arith.constant 0 : i32
      %dma_start3A_102 = tpu.memref_slice %arg9[%run_scoped3A_94, %dma_start3A_101] : memref<8x625xi32, #tpu.memory_space<vmem>> -> memref<1x625xi32, #tpu.memory_space<vmem>>
      %dma_start3A_103 = tpu.memref_squeeze %dma_start3A_102 : memref<1x625xi32, #tpu.memory_space<vmem>> -> memref<625xi32, #tpu.memory_space<vmem>>
      %dma_start3A_104 = arith.constant 0 : i32
      %dma_start3A_105 = arith.constant 0 : i32
      %dma_start3A_106 = tpu.memref_slice %arg13[%dma_start3A_104, %dma_start3A_105] : memref<10240x32xf32, #tpu.memory_space<vmem_shared>> -> memref<10240x32xf32, #tpu.memory_space<vmem_shared>>
      tpu.enqueue_indirect_dma source(%arg11 : memref<625x32xf32, #tpu.memory_space<vmem>>) target(%dma_start3A_106 : memref<10240x32xf32, #tpu.memory_space<vmem_shared>>) offsets(%dma_start3A_103 : memref<625xi32, #tpu.memory_space<vmem>>) semaphore(%run_scoped3A_100 : memref<!tpu.dma_semaphore, #tpu.memory_space<semaphore_mem>>) {add = true}
      %dma_wait3A_107 = arith.constant 0 : i32
      %dma_wait3A_108 = tpu.memref_slice %arg9[%run_scoped3A_94, %dma_wait3A_107] : memref<8x625xi32, #tpu.memory_space<vmem>> -> memref<1x625xi32, #tpu.memory_space<vmem>>
      %dma_wait3A_109 = tpu.memref_squeeze %dma_wait3A_108 : memref<1x625xi32, #tpu.memory_space<vmem>> -> memref<625xi32, #tpu.memory_space<vmem>>
      %dma_wait3A_110 = arith.constant 0 : i32
      %dma_wait3A_111 = arith.constant 0 : i32
      %dma_wait3A_112 = tpu.memref_slice %arg13[%dma_wait3A_110, %dma_wait3A_111] : memref<10240x32xf32, #tpu.memory_space<vmem_shared>> -> memref<10240x32xf32, #tpu.memory_space<vmem_shared>>
      tpu.wait_indirect_dma semaphore(%run_scoped3A_100 : memref<!tpu.dma_semaphore, #tpu.memory_space<semaphore_mem>>) src(%arg11 : memref<625x32xf32, #tpu.memory_space<vmem>>) dst(%dma_wait3A_112 : memref<10240x32xf32, #tpu.memory_space<vmem_shared>>)
      tpu.yield
    }) : () -> ()
    %run_scoped3A_95 = arith.constant 7 : i32
    "tpu.region"() ({
      %run_scoped3A_100 = tpu.sem_alloc : memref<!tpu.dma_semaphore, #tpu.memory_space<semaphore_mem>>
      %dma_start3A_101 = arith.constant 0 : i32
      %dma_start3A_102 = tpu.memref_slice %arg9[%run_scoped3A_95, %dma_start3A_101] : memref<8x625xi32, #tpu.memory_space<vmem>> -> memref<1x625xi32, #tpu.memory_space<vmem>>
      %dma_start3A_103 = tpu.memref_squeeze %dma_start3A_102 : memref<1x625xi32, #tpu.memory_space<vmem>> -> memref<625xi32, #tpu.memory_space<vmem>>
      %dma_start3A_104 = arith.constant 0 : i32
      %dma_start3A_105 = arith.constant 0 : i32
      %dma_start3A_106 = tpu.memref_slice %arg14[%dma_start3A_104, %dma_start3A_105] : memref<10240x16xf32, #tpu.memory_space<vmem_shared>> -> memref<10240x16xf32, #tpu.memory_space<vmem_shared>>
      tpu.enqueue_indirect_dma source(%arg12 : memref<625x16xf32, #tpu.memory_space<vmem>>) target(%dma_start3A_106 : memref<10240x16xf32, #tpu.memory_space<vmem_shared>>) offsets(%dma_start3A_103 : memref<625xi32, #tpu.memory_space<vmem>>) semaphore(%run_scoped3A_100 : memref<!tpu.dma_semaphore, #tpu.memory_space<semaphore_mem>>) {add = true}
      %dma_wait3A_107 = arith.constant 0 : i32
      %dma_wait3A_108 = tpu.memref_slice %arg9[%run_scoped3A_95, %dma_wait3A_107] : memref<8x625xi32, #tpu.memory_space<vmem>> -> memref<1x625xi32, #tpu.memory_space<vmem>>
      %dma_wait3A_109 = tpu.memref_squeeze %dma_wait3A_108 : memref<1x625xi32, #tpu.memory_space<vmem>> -> memref<625xi32, #tpu.memory_space<vmem>>
      %dma_wait3A_110 = arith.constant 0 : i32
      %dma_wait3A_111 = arith.constant 0 : i32
      %dma_wait3A_112 = tpu.memref_slice %arg14[%dma_wait3A_110, %dma_wait3A_111] : memref<10240x16xf32, #tpu.memory_space<vmem_shared>> -> memref<10240x16xf32, #tpu.memory_space<vmem_shared>>
      tpu.wait_indirect_dma semaphore(%run_scoped3A_100 : memref<!tpu.dma_semaphore, #tpu.memory_space<semaphore_mem>>) src(%arg12 : memref<625x16xf32, #tpu.memory_space<vmem>>) dst(%dma_wait3A_112 : memref<10240x16xf32, #tpu.memory_space<vmem_shared>>)
      tpu.yield
    }) : () -> ()
    %barrier3A_96 = arith.constant 0 : index
    tpu.barrier barrier_id(%barrier3A_96)
    %mul3A_97 = arith.constant 10240 : i32
    %mul3A_98 = arith.muli %arg0, %mul3A_97 : i32
    %add3A_99 = arith.addi %mul3A_98, %mul3A_4 : i32
    "tpu.region"() ({
      %run_scoped3A_100 = tpu.sem_alloc : memref<!tpu.dma_semaphore, #tpu.memory_space<semaphore_mem>>
      %dma_start3A_101 = arith.constant 0 : i32
      %dma_start3A_102 = tpu.memref_slice %arg7[%add3A_99, %dma_start3A_101] : memref<20480x32xf32, #tpu.memory_space<hbm>> -> memref<640x32xf32, #tpu.memory_space<hbm>>
      %dma_start3A_103 = arith.constant 0 : i32
      %dma_start3A_104 = tpu.memref_slice %arg13[%mul3A_4, %dma_start3A_103] : memref<10240x32xf32, #tpu.memory_space<vmem_shared>> -> memref<640x32xf32, #tpu.memory_space<vmem_shared>>
      tpu.enqueue_dma source(%dma_start3A_104 : memref<640x32xf32, #tpu.memory_space<vmem_shared>>) target(%dma_start3A_102 : memref<640x32xf32, #tpu.memory_space<hbm>>) target_semaphore(%run_scoped3A_100 : memref<!tpu.dma_semaphore, #tpu.memory_space<semaphore_mem>>)
      %dma_wait3A_105 = arith.constant 0 : i32
      %dma_wait3A_106 = tpu.memref_slice %arg7[%add3A_99, %dma_wait3A_105] : memref<20480x32xf32, #tpu.memory_space<hbm>> -> memref<640x32xf32, #tpu.memory_space<hbm>>
      %dma_wait3A_107 = arith.constant 0 : i32
      %dma_wait3A_108 = tpu.memref_slice %arg13[%mul3A_4, %dma_wait3A_107] : memref<10240x32xf32, #tpu.memory_space<vmem_shared>> -> memref<640x32xf32, #tpu.memory_space<vmem_shared>>
      tpu.wait_dma2 semaphore(%run_scoped3A_100 : memref<!tpu.dma_semaphore, #tpu.memory_space<semaphore_mem>>) src(%dma_wait3A_108 : memref<640x32xf32, #tpu.memory_space<vmem_shared>>) dst(%dma_wait3A_106 : memref<640x32xf32, #tpu.memory_space<hbm>>)
      tpu.yield
    }) : () -> ()
    "tpu.region"() ({
      %run_scoped3A_100 = tpu.sem_alloc : memref<!tpu.dma_semaphore, #tpu.memory_space<semaphore_mem>>
      %dma_start3A_101 = arith.constant 0 : i32
      %dma_start3A_102 = tpu.memref_slice %arg8[%add3A_99, %dma_start3A_101] : memref<20480x16xf32, #tpu.memory_space<hbm>> -> memref<640x16xf32, #tpu.memory_space<hbm>>
      %dma_start3A_103 = arith.constant 0 : i32
      %dma_start3A_104 = tpu.memref_slice %arg14[%mul3A_4, %dma_start3A_103] : memref<10240x16xf32, #tpu.memory_space<vmem_shared>> -> memref<640x16xf32, #tpu.memory_space<vmem_shared>>
      tpu.enqueue_dma source(%dma_start3A_104 : memref<640x16xf32, #tpu.memory_space<vmem_shared>>) target(%dma_start3A_102 : memref<640x16xf32, #tpu.memory_space<hbm>>) target_semaphore(%run_scoped3A_100 : memref<!tpu.dma_semaphore, #tpu.memory_space<semaphore_mem>>)
      %dma_wait3A_105 = arith.constant 0 : i32
      %dma_wait3A_106 = tpu.memref_slice %arg8[%add3A_99, %dma_wait3A_105] : memref<20480x16xf32, #tpu.memory_space<hbm>> -> memref<640x16xf32, #tpu.memory_space<hbm>>
      %dma_wait3A_107 = arith.constant 0 : i32
      %dma_wait3A_108 = tpu.memref_slice %arg14[%mul3A_4, %dma_wait3A_107] : memref<10240x16xf32, #tpu.memory_space<vmem_shared>> -> memref<640x16xf32, #tpu.memory_space<vmem_shared>>
      tpu.wait_dma2 semaphore(%run_scoped3A_100 : memref<!tpu.dma_semaphore, #tpu.memory_space<semaphore_mem>>) src(%dma_wait3A_108 : memref<640x16xf32, #tpu.memory_space<vmem_shared>>) dst(%dma_wait3A_106 : memref<640x16xf32, #tpu.memory_space<hbm>>)
      tpu.yield
    }) : () -> ()
    return
  }
}

module attributes {stable_mosaic.version = 14 : i64} {
  func.func @_mlp_body(%arg0: i32, %arg1: memref<3200x16xf32, #tpu.memory_space<vmem>>, %arg2: memref<3200x128xf32, #tpu.memory_space<vmem>>, %arg3: memref<16x64xf32, #tpu.memory_space<vmem>>, %arg4: memref<1x64xf32, #tpu.memory_space<vmem>>, %arg5: memref<64x128xf32, #tpu.memory_space<vmem>>, %arg6: memref<1x128xf32, #tpu.memory_space<vmem>>, %arg7: memref<128x1024xbf16, #tpu.memory_space<vmem>>, %arg8: memref<1x1024xbf16, #tpu.memory_space<vmem>>, %arg9: memref<32x1024xbf16, #tpu.memory_space<vmem>>, %arg10: memref<1024x32xbf16, #tpu.memory_space<vmem>>, %arg11: memref<3200x128xf32, #tpu.memory_space<vmem>>) attributes {dimension_semantics = [#tpu.dimension_semantics<arbitrary>], iteration_bounds = array<i64: 50>, scalar_prefetch = 0 : i64, scratch_operands = 0 : i64, tpu.core_type = #tpu.core_type<tc>, window_params = [{transform_indices = @transform_0, window_bounds = array<i64: 3200, 16>}, {transform_indices = @transform_1, window_bounds = array<i64: 3200, 128>}, {pipeline_mode = #tpu.pipeline_mode<synchronous>, transform_indices = @transform_2, window_bounds = array<i64: 16, 64>}, {pipeline_mode = #tpu.pipeline_mode<synchronous>, transform_indices = @transform_3, window_bounds = array<i64: 1, 64>}, {pipeline_mode = #tpu.pipeline_mode<synchronous>, transform_indices = @transform_4, window_bounds = array<i64: 64, 128>}, {pipeline_mode = #tpu.pipeline_mode<synchronous>, transform_indices = @transform_5, window_bounds = array<i64: 1, 128>}, {pipeline_mode = #tpu.pipeline_mode<synchronous>, transform_indices = @transform_6, window_bounds = array<i64: 128, 1024>}, {pipeline_mode = #tpu.pipeline_mode<synchronous>, transform_indices = @transform_7, window_bounds = array<i64: 1, 1024>}, {pipeline_mode = #tpu.pipeline_mode<synchronous>, transform_indices = @transform_8, window_bounds = array<i64: 32, 1024>}, {pipeline_mode = #tpu.pipeline_mode<synchronous>, transform_indices = @transform_9, window_bounds = array<i64: 1024, 32>}, {transform_indices = @transform_10, window_bounds = array<i64: 3200, 128>}]} {
    %get3A = arith.constant 0 : index
    %get3A_0 = arith.constant 0 : index
    %get3A_1 = vector.load %arg1[%get3A, %get3A_0] : memref<3200x16xf32, #tpu.memory_space<vmem>>, vector<3200x16xf32>
    %get3A_2 = arith.constant 0 : index
    %get3A_3 = arith.constant 0 : index
    %get3A_4 = vector.load %arg3[%get3A_2, %get3A_3] : memref<16x64xf32, #tpu.memory_space<vmem>>, vector<16x64xf32>
    %dot_general3A = arith.constant dense<0.000000e+00> : vector<3200x64xf32>
    %dot_general3A_5 = tpu.matmul %get3A_1, %get3A_4, %dot_general3A {dimension_numbers = #tpu.dot_dimension_numbers<[1], [0], [0], [1], [0, 0, 1, 1], [], []>, transpose_lhs_hint = false} : vector<3200x16xf32>, vector<16x64xf32>, vector<3200x64xf32> -> vector<3200x64xf32>
    %get3A_6 = arith.constant 0 : index
    %get3A_7 = arith.constant 0 : index
    %get3A_8 = vector.load %arg4[%get3A_6, %get3A_7] : memref<1x64xf32, #tpu.memory_space<vmem>>, vector<1x64xf32>
    %add3A = vector.broadcast %get3A_8 : vector<1x64xf32> to vector<3200x64xf32>
    %add3A_9 = arith.addf %dot_general3A_5, %add3A : vector<3200x64xf32>
    %max3A = arith.constant 0.000000e+00 : f32
    %max3A_10 = vector.broadcast %max3A : f32 to vector<3200x64xf32>
    %max3A_11 = arith.maximumf %add3A_9, %max3A_10 : vector<3200x64xf32>
    %get3A_12 = arith.constant 0 : index
    %get3A_13 = arith.constant 0 : index
    %get3A_14 = vector.load %arg5[%get3A_12, %get3A_13] : memref<64x128xf32, #tpu.memory_space<vmem>>, vector<64x128xf32>
    %dot_general3A_15 = arith.constant dense<0.000000e+00> : vector<3200x128xf32>
    %dot_general3A_16 = tpu.matmul %max3A_11, %get3A_14, %dot_general3A_15 {dimension_numbers = #tpu.dot_dimension_numbers<[1], [0], [0], [1], [0, 0, 1, 1], [], []>, transpose_lhs_hint = false} : vector<3200x64xf32>, vector<64x128xf32>, vector<3200x128xf32> -> vector<3200x128xf32>
    %get3A_17 = arith.constant 0 : index
    %get3A_18 = arith.constant 0 : index
    %get3A_19 = vector.load %arg6[%get3A_17, %get3A_18] : memref<1x128xf32, #tpu.memory_space<vmem>>, vector<1x128xf32>
    %add3A_20 = vector.broadcast %get3A_19 : vector<1x128xf32> to vector<3200x128xf32>
    %add3A_21 = arith.addf %dot_general3A_16, %add3A_20 : vector<3200x128xf32>
    %max3A_22 = arith.constant 0.000000e+00 : f32
    %max3A_23 = vector.broadcast %max3A_22 : f32 to vector<3200x128xf32>
    %max3A_24 = arith.maximumf %add3A_21, %max3A_23 : vector<3200x128xf32>
    %convert_element_type3A = arith.truncf %max3A_24 : vector<3200x128xf32> to vector<3200x128xbf16>
    %get3A_25 = arith.constant 0 : index
    %get3A_26 = arith.constant 0 : index
    %get3A_27 = vector.load %arg7[%get3A_25, %get3A_26] : memref<128x1024xbf16, #tpu.memory_space<vmem>>, vector<128x1024xbf16>
    %dot_general3A_28 = arith.constant dense<0.000000e+00> : vector<3200x1024xf32>
    %dot_general3A_29 = tpu.matmul %convert_element_type3A, %get3A_27, %dot_general3A_28 {dimension_numbers = #tpu.dot_dimension_numbers<[1], [0], [0], [1], [0, 0, 1, 1], [], []>, transpose_lhs_hint = false} : vector<3200x128xbf16>, vector<128x1024xbf16>, vector<3200x1024xf32> -> vector<3200x1024xf32>
    %convert_element_type3A_30 = arith.truncf %dot_general3A_29 : vector<3200x1024xf32> to vector<3200x1024xbf16>
    %get3A_31 = arith.constant 0 : index
    %get3A_32 = arith.constant 0 : index
    %get3A_33 = vector.load %arg8[%get3A_31, %get3A_32] : memref<1x1024xbf16, #tpu.memory_space<vmem>>, vector<1x1024xbf16>
    %add3A_34 = vector.broadcast %get3A_33 : vector<1x1024xbf16> to vector<3200x1024xbf16>
    %add3A_35 = arith.addf %convert_element_type3A_30, %add3A_34 : vector<3200x1024xbf16>
    %max3A_36 = arith.constant 0.000000e+00 : bf16
    %max3A_37 = vector.broadcast %max3A_36 : bf16 to vector<3200x1024xbf16>
    %max3A_38 = arith.maximumf %add3A_35, %max3A_37 : vector<3200x1024xbf16>
    %get3A_39 = arith.constant 0 : index
    %get3A_40 = arith.constant 0 : index
    %get3A_41 = vector.load %arg2[%get3A_39, %get3A_40] : memref<3200x128xf32, #tpu.memory_space<vmem>>, vector<3200x32xf32>
    %convert_element_type3A_42 = arith.truncf %get3A_41 : vector<3200x32xf32> to vector<3200x32xbf16>
    %get3A_43 = arith.constant 0 : index
    %get3A_44 = arith.constant 0 : index
    %get3A_45 = vector.load %arg9[%get3A_43, %get3A_44] : memref<32x1024xbf16, #tpu.memory_space<vmem>>, vector<32x1024xbf16>
    %dot_general3A_46 = arith.constant dense<0.000000e+00> : vector<3200x1024xf32>
    %dot_general3A_47 = tpu.matmul %convert_element_type3A_42, %get3A_45, %dot_general3A_46 {dimension_numbers = #tpu.dot_dimension_numbers<[1], [0], [0], [1], [0, 0, 1, 1], [], []>, transpose_lhs_hint = false} : vector<3200x32xbf16>, vector<32x1024xbf16>, vector<3200x1024xf32> -> vector<3200x1024xf32>
    %convert_element_type3A_48 = arith.truncf %dot_general3A_47 : vector<3200x1024xf32> to vector<3200x1024xbf16>
    %mul3A = arith.mulf %convert_element_type3A_48, %max3A_38 : vector<3200x1024xbf16>
    %get3A_49 = arith.constant 0 : index
    %get3A_50 = arith.constant 0 : index
    %get3A_51 = vector.load %arg10[%get3A_49, %get3A_50] : memref<1024x32xbf16, #tpu.memory_space<vmem>>, vector<1024x32xbf16>
    %dot_general3A_52 = arith.constant dense<0.000000e+00> : vector<3200x32xf32>
    %dot_general3A_53 = tpu.matmul %mul3A, %get3A_51, %dot_general3A_52 {dimension_numbers = #tpu.dot_dimension_numbers<[1], [0], [0], [1], [0, 0, 1, 1], [], []>, transpose_lhs_hint = false} : vector<3200x1024xbf16>, vector<1024x32xbf16>, vector<3200x32xf32> -> vector<3200x32xf32>
    %swap3A = arith.constant 0 : index
    %swap3A_54 = arith.constant 0 : index
    %swap3A_55 = vector.load %arg11[%swap3A, %swap3A_54] : memref<3200x128xf32, #tpu.memory_space<vmem>>, vector<3200x32xf32>
    tpu.vector_store %arg11[%swap3A, %swap3A_54], %dot_general3A_53 {strides = array<i32>} : memref<3200x128xf32, #tpu.memory_space<vmem>>, vector<3200x32xf32>,
    return
  }
  func.func @transform_0(%arg0: i32) -> (i32, i32) {
    %c0_i32 = arith.constant 0 : i32
    %c0_i32_0 = arith.constant 0 : i32
    return %arg0, %c0_i32 : i32, i32
  }
  func.func @transform_1(%arg0: i32) -> (i32, i32) {
    %c0_i32 = arith.constant 0 : i32
    %c0_i32_0 = arith.constant 0 : i32
    return %arg0, %c0_i32 : i32, i32
  }
  func.func @transform_2(%arg0: i32) -> (i32, i32) {
    %c0_i32 = arith.constant 0 : i32
    %c0_i32_0 = arith.constant 0 : i32
    %c0_i32_1 = arith.constant 0 : i32
    return %c0_i32, %c0_i32_0 : i32, i32
  }
  func.func @transform_3(%arg0: i32) -> (i32, i32) {
    %c0_i32 = arith.constant 0 : i32
    %c0_i32_0 = arith.constant 0 : i32
    %c0_i32_1 = arith.constant 0 : i32
    return %c0_i32, %c0_i32_0 : i32, i32
  }
  func.func @transform_4(%arg0: i32) -> (i32, i32) {
    %c0_i32 = arith.constant 0 : i32
    %c0_i32_0 = arith.constant 0 : i32
    %c0_i32_1 = arith.constant 0 : i32
    return %c0_i32, %c0_i32_0 : i32, i32
  }
  func.func @transform_5(%arg0: i32) -> (i32, i32) {
    %c0_i32 = arith.constant 0 : i32
    %c0_i32_0 = arith.constant 0 : i32
    %c0_i32_1 = arith.constant 0 : i32
    return %c0_i32, %c0_i32_0 : i32, i32
  }
  func.func @transform_6(%arg0: i32) -> (i32, i32) {
    %c0_i32 = arith.constant 0 : i32
    %c0_i32_0 = arith.constant 0 : i32
    %c0_i32_1 = arith.constant 0 : i32
    return %c0_i32, %c0_i32_0 : i32, i32
  }
  func.func @transform_7(%arg0: i32) -> (i32, i32) {
    %c0_i32 = arith.constant 0 : i32
    %c0_i32_0 = arith.constant 0 : i32
    %c0_i32_1 = arith.constant 0 : i32
    return %c0_i32, %c0_i32_0 : i32, i32
  }
  func.func @transform_8(%arg0: i32) -> (i32, i32) {
    %c0_i32 = arith.constant 0 : i32
    %c0_i32_0 = arith.constant 0 : i32
    %c0_i32_1 = arith.constant 0 : i32
    return %c0_i32, %c0_i32_0 : i32, i32
  }
  func.func @transform_9(%arg0: i32) -> (i32, i32) {
    %c0_i32 = arith.constant 0 : i32
    %c0_i32_0 = arith.constant 0 : i32
    %c0_i32_1 = arith.constant 0 : i32
    return %c0_i32, %c0_i32_0 : i32, i32
  }
  func.func @transform_10(%arg0: i32) -> (i32, i32) {
    %c0_i32 = arith.constant 0 : i32
    %c0_i32_0 = arith.constant 0 : i32
    return %arg0, %c0_i32 : i32, i32
  }
}

module attributes {stable_mosaic.version = 14 : i64} {
  func.func @_fin_body(%arg0: memref<2x10240x32xf32, #tpu.memory_space<vmem>>, %arg1: memref<2x10240x16xf32, #tpu.memory_space<vmem>>, %arg2: memref<1x32xf32, #tpu.memory_space<vmem>>, %arg3: memref<10000x32xf32, #tpu.memory_space<vmem>>) attributes {dimension_semantics = [], scalar_prefetch = 0 : i64, scratch_operands = 0 : i64, tpu.core_type = #tpu.core_type<tc>} {
    %get3A = arith.constant 0 : index
    %get3A_0 = arith.constant 0 : index
    %get3A_1 = arith.constant 0 : index
    %get3A_2 = vector.load %arg0[%get3A, %get3A_0, %get3A_1] : memref<2x10240x32xf32, #tpu.memory_space<vmem>>, vector<1x10000x32xf32>
    %get3A_3 = vector.shape_cast %get3A_2 : vector<1x10000x32xf32> to vector<10000x32xf32>
    %get3A_4 = arith.constant 1 : index
    %get3A_5 = arith.constant 0 : index
    %get3A_6 = arith.constant 0 : index
    %get3A_7 = vector.load %arg0[%get3A_4, %get3A_5, %get3A_6] : memref<2x10240x32xf32, #tpu.memory_space<vmem>>, vector<1x10000x32xf32>
    %get3A_8 = vector.shape_cast %get3A_7 : vector<1x10000x32xf32> to vector<10000x32xf32>
    %add3A = arith.addf %get3A_3, %get3A_8 : vector<10000x32xf32>
    %get3A_9 = arith.constant 0 : index
    %get3A_10 = arith.constant 0 : index
    %get3A_11 = arith.constant 0 : index
    %get3A_12 = vector.load %arg1[%get3A_9, %get3A_10, %get3A_11] : memref<2x10240x16xf32, #tpu.memory_space<vmem>>, vector<1x10000x1xf32>
    %get3A_13 = vector.shape_cast %get3A_12 : vector<1x10000x1xf32> to vector<10000x1xf32>
    %get3A_14 = arith.constant 1 : index
    %get3A_15 = arith.constant 0 : index
    %get3A_16 = arith.constant 0 : index
    %get3A_17 = vector.load %arg1[%get3A_14, %get3A_15, %get3A_16] : memref<2x10240x16xf32, #tpu.memory_space<vmem>>, vector<1x10000x1xf32>
    %get3A_18 = vector.shape_cast %get3A_17 : vector<1x10000x1xf32> to vector<10000x1xf32>
    %add3A_19 = arith.addf %get3A_13, %get3A_18 : vector<10000x1xf32>
    %max3A = arith.constant 1.000000e+00 : f32
    %max3A_20 = vector.broadcast %max3A : f32 to vector<10000x1xf32>
    %max3A_21 = arith.maximumf %add3A_19, %max3A_20 : vector<10000x1xf32>
    %div3A = vector.broadcast %max3A_21 : vector<10000x1xf32> to vector<10000x32xf32>
    %div3A_22 = arith.divf %add3A, %div3A : vector<10000x32xf32>
    %get3A_23 = arith.constant 0 : index
    %get3A_24 = arith.constant 0 : index
    %get3A_25 = vector.load %arg2[%get3A_23, %get3A_24] : memref<1x32xf32, #tpu.memory_space<vmem>>, vector<1x32xf32>
    %add3A_26 = vector.broadcast %get3A_25 : vector<1x32xf32> to vector<10000x32xf32>
    %add3A_27 = arith.addf %div3A_22, %add3A_26 : vector<10000x32xf32>
    %swap3A = arith.constant 0 : index
    %swap3A_28 = arith.constant 0 : index
    %swap3A_29 = vector.load %arg3[%swap3A, %swap3A_28] : memref<10000x32xf32, #tpu.memory_space<vmem>>, vector<10000x32xf32>
    tpu.vector_store %arg3[%swap3A, %swap3A_28], %add3A_27 {strides = array<i32>} : memref<10000x32xf32, #tpu.memory_space<vmem>>, vector<10000x32xf32>,
    return
  }
}

</mosaic_0001>

<sc_bundles>
// kernel: kernel.6.cloned.1.call-start
scs
__scs_entry_jumppad:
0x0: {  	(pc) =	sbr.rel $0x88, $3  }
0x1: {  	(tag) =	ssettag $0x0;
	lr =	simm.s32 $0x1  }
0x2: {  	[smem:$0x3F94] =	sst lr;
	_ =	strace $0xD0000000  }
0x3: {  	_ = 	snop  }
0x4: {  	_ = 	snop  }
0x5: {  	_ = 	snop  }
0x6: {  	_ = 	snop  }
0x7: {  	_ = 	snop  }
__scs_overlays_trampoline_lowered:
0x8: {  	[smem:$0x3FA3] =	sst s0  }
0x9: {  	[smem:$0x3FA4] =	sst s1  }
0xa: {  	[smem:$0x3FA5] =	sst s2  }
0xb: {  	[smem:$0x3FA6] =	sst s3  }
0xc: {  	[smem:$0x3FA7] =	sst s4  }
0xd: {  	[smem:$0x3FA8] =	sst s5  }
0xe: {  	[smem:$0x3FA9] =	sst s6  }
0xf: {  	[smem:$0x3FAA] =	sst s7  }
0x10: {  	[smem:$0x3FAB] =	sst s8  }
0x11: {  	[smem:$0x3FAC] =	sst s9;
	s0 =	simm.s32 @!p0 $0x0  }
0x12: {  	s1 =	sld [smem:$0x3F92];
	s0 =	simm.s32 @p0 $0x1  }
0x13: {  	[smem:$0x3FAD] =	sst s0;
	s0 =	simm.s32 @!p1 $0x0  }
0x14: {  	s2 =	sld [smem:$0x3F91];
	s0 =	simm.s32 @p1 $0x1  }
0x15: {  	[smem:$0x3FAE] =	sst s0;
	s0 =	simm.s32 @!p2 $0x0  }
0x16: {  	s3 =	sld [smem:$0x3FDB];
	s0 =	simm.s32 @p2 $0x1  }
0x17: {  	s4 =	simm.s32 $0x1BF5;
	[smem:$0x3FB0] =	sst s0  }
0x18: {  	s0 =	sld [smem:$0x3F93];
	_ =	swait.ge [sflag:s4], $0x0  }
0x19: {  	s7 =	sld [smem:$0x3F94]  }
0x1a: {  	s8 =	sadd.s32 $0xFFFFE003, lr  }
0x1b: {  	s9 =	sadd.s32 $0xFFFFFEF7, lr;
	s5 =	simm.s32 $0xFFFFFFFF;
	p2 =	slt.u32 s8, $0xFFFFF086  }
0x1c: {  	p1 =	slt.u32 s9, $0xF7A;
	s5 =	simm.s32 @!p2 $0x0  }
0x1d: {  	s5 =	simm.s32 @p1 $0x1;
	p0 =	seq.s32 s7, s2  }
0x1e: {  	s7 =	smul.u32 @!p0 $0xF7A, s2;
	p2 =	seq.s32 @!p0 s5, $0x0  }
0x1f: {  	s9 =	smul.u32 $0xF7A, s1;
	s8 =	simm.s32 @!p0 $0x1BF5;
	p2 =	por !p2, p0  }
0x20: {  	[sflag:s8] =	ssyncset.s32 @!p0 $0xFFFFF086;
	s6 =	sadd.s32 @!p0 s3, s7;
	s7 =	simm.s32 @!p0 $0x108  }
0x21: {  	s3 =	sadd.s32 s3, s9;
	s6 =	sadd.s32 @!p0 $0x88, s6;
	s7 =	simm.s32 @p2 $0x1082  }
0x22: {  	[simem:s7], [sflag:s8] =	dma.local @!p0 [hbm:s6], $0xF7A  }
0x23: {  	s9 =	sor.u32 $0xD0000000, s2;
	s6 =	simm.s32 $0x108;
	_ =	swait.ge @!p0 [sflag:s8], $0x0  }
0x24: {  	s3 =	sadd.s32 $0x88, s3;
	s6 =	simm.s32 @!p1 $0x1082;
	[sflag:s4] =	ssyncset.s32 $0xFFFFF086  }
0x25: {  	[simem:s6], [sflag:s4] =	dma.local [hbm:s3], $0xF7A  }
0x26: {  	[smem:$0x3F94] =	sst s1;
	(tag) =	ssettag s2;
	_ =	strace s9  }
0x27: {  	s1 =	sld [smem:$0x3FA4]  }
0x28: {  	s2 =	sld [smem:$0x3FA5]  }
0x29: {  	s4 =	sld [smem:$0x3FA7]  }
0x2a: {  	p0 =	seq.s32 s5, $0x0;
	s5 =	sld [smem:$0x3FA8]  }
0x2b: {  	s6 =	sld [smem:$0x3FA9]  }
0x2c: {  	s7 =	sld [smem:$0x3FAA]  }
0x2d: {  	s3 =	simm.s32 $0x108;
	s8 =	sld [smem:$0x3FAB]  }
0x2e: {  	s3 =	simm.s32 @!p0 $0x1082;
	s9 =	sld [smem:$0x3FAC]  }
0x2f: {  	lr =	sadd.s32 s0, s3;
	s0 =	sld [smem:$0x3FA3]  }
0x30: {  	s3 =	sld [smem:$0x3FA6]  }
0x31: {  	[smem:$0x3FAF] =	sst s10  }
0x32: {  	s10 =	sld [smem:$0x3FAD];
	_ =	sdelay $0x3  }
0x33: {  	p0 =	seq.s32 s10, $0x1;
	s10 =	sld [smem:$0x3FAF];
	_ =	sdelay $0x3  }
0x34: {  	[smem:$0x3FAF] =	sst s10  }
0x35: {  	s10 =	sld [smem:$0x3FAE];
	_ =	sdelay $0x3  }
0x36: {  	p1 =	seq.s32 s10, $0x1;
	s10 =	sld [smem:$0x3FAF];
	_ =	sdelay $0x3  }
0x37: {  	[smem:$0x3FAF] =	sst s10  }
0x38: {  	s10 =	sld [smem:$0x3FB0]  }
0x39: {  	_ = 	snop;
	(pc) =	sbr.ind lr, $3  }
0x3a: {  	_ = 	snop  }
0x3b: {  	_ = 	snop  }
0x3c: {  	p2 =	seq.s32 s10, $0x1;
	s10 =	sld [smem:$0x3FAF]  }
0x3d: {  	_ =	shalt  }
0x3e: {  	_ =	shalt  }
0x3f: {  	_ =	shalt  }
0x40: {  	_ =	shalt  }
0x41: {  	_ =	shalt  }
0x42: {  	_ =	shalt  }
0x43: {  	_ =	shalt  }
0x44: {  	_ =	shalt  }
0x45: {  	_ =	shalt  }
0x46: {  	_ =	shalt  }
0x47: {  	_ =	shalt  }
0x48: {  	_ =	shalt  }
0x49: {  	_ =	shalt  }
0x4a: {  	_ =	shalt  }
0x4b: {  	_ =	shalt  }
0x4c: {  	_ =	shalt  }
0x4d: {  	_ =	shalt  }
0x4e: {  	_ =	shalt  }
0x4f: {  	_ =	shalt  }
0x50: {  	_ =	shalt  }
0x51: {  	_ =	shalt  }
0x52: {  	_ =	shalt  }
0x53: {  	_ =	shalt  }
0x54: {  	_ =	shalt  }
0x55: {  	_ =	shalt  }
0x56: {  	_ =	shalt  }
0x57: {  	_ =	shalt  }
0x58: {  	_ =	shalt  }
0x59: {  	_ =	shalt  }
0x5a: {  	_ =	shalt  }
0x5b: {  	_ =	shalt  }
0x5c: {  	_ =	shalt  }
0x5d: {  	_ =	shalt  }
0x5e: {  	_ =	shalt  }
0x5f: {  	_ =	shalt  }
0x60: {  	_ =	shalt  }
0x61: {  	_ =	shalt  }
0x62: {  	_ =	shalt  }
0x63: {  	_ =	shalt  }
0x64: {  	_ =	shalt  }
0x65: {  	_ =	shalt  }
0x66: {  	_ =	shalt  }
0x67: {  	_ =	shalt  }
0x68: {  	_ =	shalt  }
0x69: {  	_ =	shalt  }
0x6a: {  	_ =	shalt  }
0x6b: {  	_ =	shalt  }
0x6c: {  	_ =	shalt  }
0x6d: {  	_ =	shalt  }
0x6e: {  	_ =	shalt  }
0x6f: {  	_ =	shalt  }
0x70: {  	_ =	shalt  }
0x71: {  	_ =	shalt  }
0x72: {  	_ =	shalt  }
0x73: {  	_ =	shalt  }
0x74: {  	_ =	shalt  }
0x75: {  	_ =	shalt  }
0x76: {  	_ =	shalt  }
0x77: {  	_ =	shalt  }
0x78: {  	_ =	shalt  }
0x79: {  	_ =	shalt  }
0x7a: {  	_ =	shalt  }
0x7b: {  	_ =	shalt  }
0x7c: {  	_ =	shalt  }
0x7d: {  	_ =	shalt  }
0x7e: {  	_ =	shalt  }
0x7f: {  	_ =	shalt  }
0x80: {  	_ =	shalt  }
0x81: {  	_ =	shalt  }
0x82: {  	_ =	shalt  }
0x83: {  	_ =	shalt  }
0x84: {  	_ =	shalt  }
0x85: {  	_ =	shalt  }
0x86: {  	_ =	shalt  }
0x87: {  	_ =	shalt  }
.Lfunc_end0:
.L_simem_size_0:
called_computation_lowered:
.L_overlay_start_0:
0x88: {  	s2 =	sld [smem:$0x3FD9]  }
0x89: {  	s3 =	sld [smem:$0x3FFE];
	_ =	sdelay $0x1  }
0x8a: {  	s1 =	srdreg.scid  }
0x8b: {  	s0 =	sand.u32 $0x1, s1  }
0x8c: {  	s17 =	sshll.u32 s0, $0xA;
	s2 =	sadd.s32 s3, s2  }
0x8d: {  	s2 =	sadd.s32 s2, s17  }
0x8e: {  	[smem:$0x3FBB] =	sst s2  }
0x8f: {  	_ = 	snop  }
0x90: {  	s2 =	sld [smem:$0x3FD0];
	(tm) =	ssettm $0x1  }
0x91: {  	s18 =	sld [smem:$0x3FFB];
	_ =	sdelay $0x3  }
0x92: {  	_ =	strace s18  }
0x93: {  	s3 =	sld [smem:$0x3FFC];
	_ =	sdelay $0x3  }
0x94: {  	_ =	strace s3  }
0x95: {  	s3 =	sld [smem:$0x3FFD];
	_ =	sdelay $0x3  }
0x96: {  	_ =	strace s3  }
0x97: {  	_ =	strace $0x8FFFFFFF  }
0x98: {  	s19 =	sld [smem:$0x3FDB];
	_ =	sdelay $0x1  }
0x99: {  	s4 =	simm.s32 $_scs_section_size  }
0x9a: {  	s5 =	simm.s32 $_size__tile_overlayer_lowered;
	s6 =	simm.s32 $_tile_overlayer_lowered  }
0x9b: {  	s22 =	simm.s32 $0x1BFF;
	s21 =	sshll.u32 s6, $0x1;
	s3 =	sadd.s32 s4, s19  }
0x9c: {  	s7 =	simm.s32 $0x0;
	s20 =	sshll.u32 s5, $0x1;
	s5 =	sadd.s32 s21, s3  }
0x9d: {  	[timem:s7], [sflag:s22] =	dma.local [hbm:s5], s20  }
0x9e: {  	_ =	swait.ge [sflag:s22], s20  }
0x9f: {  	s4 =	ssub.s32 $0x0, s20;
	[sflag:s22] =	ssyncset.done $0x0  }
0xa0: {  	[sflag:s22] =	ssyncadd.s32 s4;
	_ =	sdelay $0x1  }
0xa1: {  	s23 =	simm.s32 $0x1B8B  }
0xa2: {  	_ =	swait.ge [sflag:s23], $0x1  }
0xa3: {  	[sflag:s23] =	ssyncset.done $0x0  }
0xa4: {  	s25 =	simm.s32 $0x1B8E;
	s24 =	sld [smem:$0x3FFE];
	[sflag:s23] =	ssyncadd.s32 $0xFFFFFFFF  }
0xa5: {  	s26 =	simm.s32 $execute0_lowered;
	[smem:$0x3FD2] =	sst s25  }
0xa6: {  	s5 =	sshll.u32 s26, $0x1;
	_ =	strace $0x80000046;
	[dreg:$0x1] =	wrdreg $0xFFFFFFFF  }
0xa7: {  	s28 =	simm.s32 $_size_execute0_lowered;
	s3 =	sadd.s32 s3, s5;
	[dreg:$0x0] =	wrdreg $0x0  }
0xa8: {  	s5 =	sshll.u32 s28, $0x1;
	[dreg:$0x2] =	wrdreg s3  }
0xa9: {  	[dreg:$0x3] =	wrdreg s5  }
0xaa: {  	[dreg:$0x4] =	wrdreg $0xC0  }
0xab: {  	_ =	task [dreg:s7], $0x5FFFF  }
0xac: {  	[dreg:$0x1] =	wrdreg $0xFFFFFFFF  }
0xad: {  	[dreg:$0x0] =	wrdreg $0x60  }
0xae: {  	[dreg:$0x2] =	wrdreg s2  }
0xaf: {  	[dreg:$0x3] =	wrdreg s24  }
0xb0: {  	[dreg:$0x4] =	wrdreg $0x9  }
0xb1: {  	_ =	task.clear_ibuf [dreg:s7], $0x5FFFF;
	_ =	strace $0x90000046  }
0xb2: {  	s29 =	simm.s32 $0x9;
	_ =	strace $0x80000048  }
0xb3: {  	_ =	swait.ge [sflag:s29], $0x1  }
0xb4: {  	[sflag:s29] =	ssyncadd.s32 $0xFFFFFFFF  }
0xb5: {  	_ =	strace $0x90000048  }
0xb6: {  	_ =	sfence  }
0xb7: {  	s30 =	sld [smem:$0x0];
	_ =	sdelay $0x2  }
0xb8: {  	s31 =	sshll.u32 s1, $0xD;
	s1 =	sshrl.u32 s1, $0x2  }
0xb9: {  	s3 =	sand.u32 $0x4000, s31;
	s1 =	sadd.s32 s1, s30  }
0xba: {  	s0 =	sor.u32 s3, s0;
	s1 =	sshll.u32 s1, $0x11  }
0xbb: {  	s0 =	sor.u32 s1, s0  }
0xbc: {  	s0 =	sadd.s32 $0x8F2B, s0  }
0xbd: {  	[sflag:s0] =	ssyncadd.remote.s32 $0x1  }
0xbe: {  	_ =	sfence.sel $0xFFFF  }
0xbf: {  	[dreg:$0x0] =	wrdreg $0xFFFFFFFF;
	(pc) =	sbr.abs _section_cstart, $3  }
0xc0: {  	[dreg:$0x1] =	wrdreg $0xFFFFFFFF  }
0xc1: {  	_ =	task.clear_ibuf [dreg:s7], $0x2FFFF;
	_ =	strace $0x9FFFFFFF  }
0xc2: {  	(tm) =	ssettm $0x7FFFFFFF  }
0xc3: {  	_ =	shalt  }
tec
execute0_lowered:
.L_overlay_start_1:
0x0: {  	(tag) =	ssettag $0x1  }
0x1: {  	s0 =	srdreg.scid  }
0x2: {  	s30 =	sand.u32 $0x1, s0  }
0x3: {  	s0 =	stileid.u32;
	s1 =	sshll.u32 s30, $0x4  }
0x4: {  	s15 =	sor.u32 s0, s1  }
0x5: {  	s2 =	rddreg [dreg:$0x0];
	s4 =	smul.u32 $0x278, s15  }
0x6: {  	s11 =	rddreg [dreg:$0x1];
	s3 =	simm.s32 $0x0  }
0x7: {  	[smem:$0x7FF] =	sst s3;
	s4 =	sadd.s32 s4, s11  }
0x8: {  	s5 =	simm.s32 $0x5;
	_ =	strace $0x80000047;
	s4 =	sadd.s32 $0x2C00, s4  }
0x9: {  	[tilespmem:s3], [sflag:$0x5] =	stream.linear.gather [hbm4b:s4+s3], $0x13C0, $0x38;
	[tilespmem:$0xB000] =	vst v63  }
0xa: {  	_ =	swait.ge [sflag:s5], $0x13C0  }
0xb: {  	[sflag:s5] =	ssyncset.done $0x0  }
0xc: {  	s6 =	simm.s32 $0x271;
	s7 =	simm.s32 $0x13C0;
	[sflag:s5] =	ssyncadd.s32 $0xFFFFEC40  }
0xd: {  	[tilespmem:s7], [sflag:$0x1] =	stream.indirect.gather [hbm4b:s2+s6], $0x20, s3, s6, $0xb8;
	[tilespmem:$0xB000] =	vst v63  }
0xe: {  	s8 =	simm.s32 $0x278;
	s9 =	simm.s32 $0x61E0;
	s10 =	simm.s32 $0x1  }
0xf: {  	[tilespmem:s9], [sflag:$0x2] =	stream.indirect.gather [hbm4b:s2+s6], $0x20, s8, s6, $0xb8;
	[tilespmem:$0xB000] =	vst v63  }
0x10: {  	s13 =	simm.s32 $0x80;
	s12 =	smul.u32 $0x13880, s15;
	_ =	swait.ge [sflag:s10], $0x4E20  }
0x11: {  	s14 =	simm.s32 $0x3;
	s17 =	sadd.s32 $0x7C00, s11;
	[sflag:s10] =	ssyncset.done $0x0  }
0x12: {  	s11 =	sadd.s32 s17, s12;
	s12 =	simm.s32 $0x20;
	[sflag:s10] =	ssyncadd.s32 $0xFFFFB1E0  }
0x13: {  	[hbm4b:s11+s12] =	stream.strided.scatter [tilespmem:s7], [sflag:$0x3], $0x4E20, s13, s12, $0x38;
	[tilespmem:$0xB000] =	vst v63  }
0x14: {  	_ =	swait.ge [sflag:s14], $0x4E20  }
0x15: {  	s16 =	simm.s32 $0x2;
	[sflag:s14] =	ssyncset.done $0x0  }
0x16: {  	s18 =	smul.u32 $0x9C400, s15;
	s15 =	simm.s32 $0x4F0;
	[sflag:s14] =	ssyncadd.s32 $0xFFFFB1E0  }
0x17: {  	[tilespmem:s7], [sflag:$0x1] =	stream.indirect.gather [hbm4b:s2+s6], $0x20, s15, s6, $0xb8;
	[tilespmem:$0xB000] =	vst v63  }
0x18: {  	s18 =	sshrl.u32 s18, $0x3;
	_ =	swait.ge [sflag:s16], $0x4E20  }
0x19: {  	s31 =	sadd.s32 s17, s18;
	[sflag:s16] =	ssyncset.done $0x0  }
0x1a: {  	s17 =	simm.s32 $0x4;
	s18 =	sadd.s32 $0x2710, s31;
	[sflag:s16] =	ssyncadd.s32 $0xFFFFB1E0  }
0x1b: {  	[hbm4b:s18+s12] =	stream.strided.scatter [tilespmem:s9], [sflag:$0x4], $0x4E20, s13, s12, $0x38;
	[tilespmem:$0xB000] =	vst v63  }
0x1c: {  	_ =	swait.ge [sflag:s17], $0x4E20  }
0x1d: {  	[sflag:s17] =	ssyncset.done $0x0  }
0x1e: {  	s19 =	simm.s32 $0x768;
	[sflag:s17] =	ssyncadd.s32 $0xFFFFB1E0  }
0x1f: {  	[tilespmem:s9], [sflag:$0x2] =	stream.indirect.gather [hbm4b:s2+s6], $0x20, s19, s6, $0xb8;
	[tilespmem:$0xB000] =	vst v63  }
0x20: {  	_ =	swait.ge [sflag:s10], $0x4E20  }
0x21: {  	[sflag:s10] =	ssyncset.done $0x0  }
0x22: {  	s20 =	sadd.s32 $0x4E20, s31;
	[sflag:s10] =	ssyncadd.s32 $0xFFFFB1E0  }
0x23: {  	[hbm4b:s20+s12] =	stream.strided.scatter [tilespmem:s7], [sflag:$0x3], $0x4E20, s13, s12, $0x38;
	[tilespmem:$0xB000] =	vst v63  }
0x24: {  	_ =	swait.ge [sflag:s14], $0x4E20  }
0x25: {  	[sflag:s14] =	ssyncset.done $0x0  }
0x26: {  	s21 =	simm.s32 $0x9E0;
	[sflag:s14] =	ssyncadd.s32 $0xFFFFB1E0  }
0x27: {  	[tilespmem:s7], [sflag:$0x1] =	stream.indirect.gather [hbm4b:s2+s6], $0x20, s21, s6, $0xb8;
	[tilespmem:$0xB000] =	vst v63  }
0x28: {  	_ =	swait.ge [sflag:s16], $0x4E20  }
0x29: {  	[sflag:s16] =	ssyncset.done $0x0  }
0x2a: {  	s22 =	sadd.s32 $0x7530, s31;
	[sflag:s16] =	ssyncadd.s32 $0xFFFFB1E0  }
0x2b: {  	[hbm4b:s22+s12] =	stream.strided.scatter [tilespmem:s9], [sflag:$0x4], $0x4E20, s13, s12, $0x38;
	[tilespmem:$0xB000] =	vst v63  }
0x2c: {  	_ =	swait.ge [sflag:s17], $0x4E20  }
0x2d: {  	[sflag:s17] =	ssyncset.done $0x0  }
0x2e: {  	s23 =	simm.s32 $0xC58;
	[sflag:s17] =	ssyncadd.s32 $0xFFFFB1E0  }
0x2f: {  	[tilespmem:s9], [sflag:$0x2] =	stream.indirect.gather [hbm4b:s2+s6], $0x20, s23, s6, $0xb8;
	[tilespmem:$0xB000] =	vst v63  }
0x30: {  	_ =	swait.ge [sflag:s10], $0x4E20  }
0x31: {  	[sflag:s10] =	ssyncset.done $0x0  }
0x32: {  	s24 =	sadd.s32 $0x9C40, s31;
	[sflag:s10] =	ssyncadd.s32 $0xFFFFB1E0  }
0x33: {  	[hbm4b:s24+s12] =	stream.strided.scatter [tilespmem:s7], [sflag:$0x3], $0x4E20, s13, s12, $0x38;
	[tilespmem:$0xB000] =	vst v63  }
0x34: {  	_ =	swait.ge [sflag:s14], $0x4E20  }
0x35: {  	[sflag:s14] =	ssyncset.done $0x0  }
0x36: {  	s25 =	simm.s32 $0xED0;
	[sflag:s14] =	ssyncadd.s32 $0xFFFFB1E0  }
0x37: {  	[tilespmem:s7], [sflag:$0x1] =	stream.indirect.gather [hbm4b:s2+s6], $0x20, s25, s6, $0xb8;
	[tilespmem:$0xB000] =	vst v63  }
0x38: {  	_ =	swait.ge [sflag:s16], $0x4E20  }
0x39: {  	[sflag:s16] =	ssyncset.done $0x0  }
0x3a: {  	s26 =	sadd.s32 $0xC350, s31;
	[sflag:s16] =	ssyncadd.s32 $0xFFFFB1E0  }
0x3b: {  	[hbm4b:s26+s12] =	stream.strided.scatter [tilespmem:s9], [sflag:$0x4], $0x4E20, s13, s12, $0x38;
	[tilespmem:$0xB000] =	vst v63  }
0x3c: {  	_ =	swait.ge [sflag:s17], $0x4E20  }
0x3d: {  	[sflag:s17] =	ssyncset.done $0x0  }
0x3e: {  	s28 =	simm.s32 $0x1148;
	[sflag:s17] =	ssyncadd.s32 $0xFFFFB1E0  }
0x3f: {  	[tilespmem:s9], [sflag:$0x2] =	stream.indirect.gather [hbm4b:s2+s6], $0x20, s28, s6, $0xb8;
	[tilespmem:$0xB000] =	vst v63  }
0x40: {  	_ =	swait.ge [sflag:s10], $0x4E20  }
0x41: {  	s1 =	ssub.s32 $0x2, s30;
	s29 =	sadd.s32 $0xEA60, s31;
	[sflag:s10] =	ssyncset.done $0x0  }
0x42: {  	s30 =	sadd.s32 $0x11170, s31;
	s31 =	sshrl.u32 s1, $0x1;
	[sflag:s10] =	ssyncadd.s32 $0xFFFFB1E0  }
0x43: {  	[hbm4b:s29+s12] =	stream.strided.scatter [tilespmem:s7], [sflag:$0x3], $0x4E20, s13, s12, $0x38;
	[tilespmem:$0xB000] =	vst v63  }
0x44: {  	s1 =	ssub.s32 s1, s31;
	_ =	swait.ge [sflag:s16], $0x4E20  }
0x45: {  	s1 =	smax.u32 s1, $0x1;
	[sflag:s16] =	ssyncset.done $0x0  }
0x46: {  	p0 =	sne.s32 s1, $0x1;
	[sflag:s16] =	ssyncadd.s32 $0xFFFFB1E0  }
0x47: {  	[hbm4b:s30+s12] =	stream.strided.scatter [tilespmem:s9], [sflag:$0x4], $0x4E20, s13, s12, $0x38;
	[tilespmem:$0xB000] =	vst v63  }
.Ltmp0:
0x48: {  	_ =	swait.ge [sflag:s14], $0x4E20;
	(pc) =	sbr.rel @!p0 .LBB2_2-.Ltmp0, $4  }
0x49: {  	[sflag:s14] =	ssyncset.done $0x0  }
0x4a: {  	[sflag:s14] =	ssyncadd.s32 $0xFFFFB1E0  }
0x4b: {  	_ =	swait.ge [sflag:s17], $0x4E20  }
0x4c: {  	s31 =	sadd.s32 $0xFFFFFFFF, s1;
	[sflag:s17] =	ssyncset.done $0x0  }
.LBB2_1:
0x4d: {  	p0 =	sne.s32 s31, $0x1;
	s31 =	sadd.s32 $0xFFFFFFFF, s31;
	[sflag:s17] =	ssyncadd.s32 $0xFFFFB1E0  }
0x4e: {  	[tilespmem:s3], [sflag:$0x5] =	stream.linear.gather [hbm4b:s4+s3], $0x13C0, $0x38;
	[tilespmem:$0xB000] =	vst v63  }
0x4f: {  	_ =	swait.ge [sflag:s5], $0x13C0  }
0x50: {  	[sflag:s5] =	ssyncset.done $0x0  }
0x51: {  	[sflag:s5] =	ssyncadd.s32 $0xFFFFEC40  }
0x52: {  	[tilespmem:s7], [sflag:$0x1] =	stream.indirect.gather [hbm4b:s2+s6], $0x20, s3, s6, $0xb8;
	[tilespmem:$0xB000] =	vst v63  }
0x53: {  	_ = 	snop  }
0x54: {  	[tilespmem:s9], [sflag:$0x2] =	stream.indirect.gather [hbm4b:s2+s6], $0x20, s8, s6, $0xb8;
	[tilespmem:$0xB000] =	vst v63  }
0x55: {  	_ =	swait.ge [sflag:s10], $0x4E20  }
0x56: {  	[sflag:s10] =	ssyncset.done $0x0  }
0x57: {  	[sflag:s10] =	ssyncadd.s32 $0xFFFFB1E0  }
0x58: {  	[hbm4b:s11+s12] =	stream.strided.scatter [tilespmem:s7], [sflag:$0x3], $0x4E20, s13, s12, $0x38;
	[tilespmem:$0xB000] =	vst v63  }
0x59: {  	_ =	swait.ge [sflag:s14], $0x4E20  }
0x5a: {  	[sflag:s14] =	ssyncset.done $0x0  }
0x5b: {  	[sflag:s14] =	ssyncadd.s32 $0xFFFFB1E0  }
0x5c: {  	[tilespmem:s7], [sflag:$0x1] =	stream.indirect.gather [hbm4b:s2+s6], $0x20, s15, s6, $0xb8;
	[tilespmem:$0xB000] =	vst v63  }
0x5d: {  	_ =	swait.ge [sflag:s16], $0x4E20  }
0x5e: {  	[sflag:s16] =	ssyncset.done $0x0  }
0x5f: {  	[sflag:s16] =	ssyncadd.s32 $0xFFFFB1E0  }
0x60: {  	[hbm4b:s18+s12] =	stream.strided.scatter [tilespmem:s9], [sflag:$0x4], $0x4E20, s13, s12, $0x38;
	[tilespmem:$0xB000] =	vst v63  }
0x61: {  	_ =	swait.ge [sflag:s17], $0x4E20  }
0x62: {  	[sflag:s17] =	ssyncset.done $0x0  }
0x63: {  	[sflag:s17] =	ssyncadd.s32 $0xFFFFB1E0  }
0x64: {  	[tilespmem:s9], [sflag:$0x2] =	stream.indirect.gather [hbm4b:s2+s6], $0x20, s19, s6, $0xb8;
	[tilespmem:$0xB000] =	vst v63  }
0x65: {  	_ =	swait.ge [sflag:s10], $0x4E20  }
0x66: {  	[sflag:s10] =	ssyncset.done $0x0  }
0x67: {  	[sflag:s10] =	ssyncadd.s32 $0xFFFFB1E0  }
0x68: {  	[hbm4b:s20+s12] =	stream.strided.scatter [tilespmem:s7], [sflag:$0x3], $0x4E20, s13, s12, $0x38;
	[tilespmem:$0xB000] =	vst v63  }
0x69: {  	_ =	swait.ge [sflag:s14], $0x4E20  }
0x6a: {  	[sflag:s14] =	ssyncset.done $0x0  }
0x6b: {  	[sflag:s14] =	ssyncadd.s32 $0xFFFFB1E0  }
0x6c: {  	[tilespmem:s7], [sflag:$0x1] =	stream.indirect.gather [hbm4b:s2+s6], $0x20, s21, s6, $0xb8;
	[tilespmem:$0xB000] =	vst v63  }
0x6d: {  	_ =	swait.ge [sflag:s16], $0x4E20  }
0x6e: {  	[sflag:s16] =	ssyncset.done $0x0  }
0x6f: {  	[sflag:s16] =	ssyncadd.s32 $0xFFFFB1E0  }
0x70: {  	[hbm4b:s22+s12] =	stream.strided.scatter [tilespmem:s9], [sflag:$0x4], $0x4E20, s13, s12, $0x38;
	[tilespmem:$0xB000] =	vst v63  }
0x71: {  	_ =	swait.ge [sflag:s17], $0x4E20  }
0x72: {  	[sflag:s17] =	ssyncset.done $0x0  }
0x73: {  	[sflag:s17] =	ssyncadd.s32 $0xFFFFB1E0  }
0x74: {  	[tilespmem:s9], [sflag:$0x2] =	stream.indirect.gather [hbm4b:s2+s6], $0x20, s23, s6, $0xb8;
	[tilespmem:$0xB000] =	vst v63  }
0x75: {  	_ =	swait.ge [sflag:s10], $0x4E20  }
0x76: {  	[sflag:s10] =	ssyncset.done $0x0  }
0x77: {  	[sflag:s10] =	ssyncadd.s32 $0xFFFFB1E0  }
0x78: {  	[hbm4b:s24+s12] =	stream.strided.scatter [tilespmem:s7], [sflag:$0x3], $0x4E20, s13, s12, $0x38;
	[tilespmem:$0xB000] =	vst v63  }
0x79: {  	_ =	swait.ge [sflag:s14], $0x4E20  }
0x7a: {  	[sflag:s14] =	ssyncset.done $0x0  }
0x7b: {  	[sflag:s14] =	ssyncadd.s32 $0xFFFFB1E0  }
0x7c: {  	[tilespmem:s7], [sflag:$0x1] =	stream.indirect.gather [hbm4b:s2+s6], $0x20, s25, s6, $0xb8;
	[tilespmem:$0xB000] =	vst v63  }
0x7d: {  	_ =	swait.ge [sflag:s16], $0x4E20  }
0x7e: {  	[sflag:s16] =	ssyncset.done $0x0  }
0x7f: {  	[sflag:s16] =	ssyncadd.s32 $0xFFFFB1E0  }
0x80: {  	[hbm4b:s26+s12] =	stream.strided.scatter [tilespmem:s9], [sflag:$0x4], $0x4E20, s13, s12, $0x38;
	[tilespmem:$0xB000] =	vst v63  }
0x81: {  	_ =	swait.ge [sflag:s17], $0x4E20  }
0x82: {  	[sflag:s17] =	ssyncset.done $0x0  }
0x83: {  	[sflag:s17] =	ssyncadd.s32 $0xFFFFB1E0  }
0x84: {  	[tilespmem:s9], [sflag:$0x2] =	stream.indirect.gather [hbm4b:s2+s6], $0x20, s28, s6, $0xb8;
	[tilespmem:$0xB000] =	vst v63  }
0x85: {  	_ =	swait.ge [sflag:s10], $0x4E20  }
0x86: {  	[sflag:s10] =	ssyncset.done $0x0  }
0x87: {  	[sflag:s10] =	ssyncadd.s32 $0xFFFFB1E0  }
0x88: {  	[hbm4b:s29+s12] =	stream.strided.scatter [tilespmem:s7], [sflag:$0x3], $0x4E20, s13, s12, $0x38;
	[tilespmem:$0xB000] =	vst v63  }
0x89: {  	_ =	swait.ge [sflag:s16], $0x4E20  }
0x8a: {  	[sflag:s16] =	ssyncset.done $0x0  }
0x8b: {  	[sflag:s16] =	ssyncadd.s32 $0xFFFFB1E0  }
0x8c: {  	[hbm4b:s30+s12] =	stream.strided.scatter [tilespmem:s9], [sflag:$0x4], $0x4E20, s13, s12, $0x38;
	[tilespmem:$0xB000] =	vst v63  }
.Ltmp1:
0x8d: {  	_ =	swait.ge [sflag:s14], $0x4E20;
	(pc) =	sbr.rel @p0 .LBB2_1-.Ltmp1, $4  }
0x8e: {  	[sflag:s14] =	ssyncset.done $0x0  }
0x8f: {  	[sflag:s14] =	ssyncadd.s32 $0xFFFFB1E0  }
0x90: {  	_ =	swait.ge [sflag:s17], $0x4E20  }
0x91: {  	[sflag:s17] =	ssyncset.done $0x0  }
.LBB2_2:
0x92: {  	[sflag:s17] =	ssyncadd.s32 $0xFFFFB1E0  }
0x93: {  	_ =	sfence.sel $0x180000  }
0x94: {  	[bflag:$0x0] =	sbarrier.arrive $0xFFFF  }
0x95: {  	_ =	strace $0x90000047  }
0x96: {  	[bflag:$0x2] =	sbarrier.arrive $0xFFFF  }
0x97: {  	p0 =	sne.s32 s0, $0x0;
	s0 =	rddreg [dreg:$0x2]  }
0x98: {  	s0 =	sadd.s32 @!p0 $0x100000, s0  }
0x99: {  	[sflag:s0] =	ssyncadd.tile.s32 @!p0 $0x1;
	_ =	shalt  }
.Lfunc_end2:
_tile_overlayer_lowered:
.L_overlay_start_2:
0x9a: {  	(tag) =	ssettag $0x2  }
0x9b: {  	s0 =	rddreg [dreg:$0x0];
	s2 =	stileid.u32  }
0x9c: {  	s1 =	rddreg [dreg:$0x1];
	p0 =	sne.s32 s2, $0x0  }
0x9d: {  	s3 =	rddreg [dreg:$0x2];
	[bflag:$0x3] =	sbarrier.arrive $0xFFFF;
	s2 =	simm.s32 @!p0 $0x1C05  }
0x9e: {  	[timem:s3], [sflag:s2] =	dma.local @!p0 [hbm:s0], s1  }
0x9f: {  	s0 =	simm.s32 @!p0 $0x5  }
0xa0: {  	_ =	swait.ge @!p0 [sflag:s0], s1  }
0xa1: {  	s1 =	ssub.s32 @!p0 $0x0, s1;
	[sflag:s0] =	ssyncset.done @!p0 $0x0  }
0xa2: {  	[sflag:s0] =	ssyncadd.s32 @!p0 s1  }
0xa3: {  	[bflag:$0x3] =	sbarrier.arrive $0xFFFF  }
0xa4: {  	_ =	shalt  }

// kernel: kernel.9.cloned.1.call-start
scs
__scs_entry_jumppad:
0x0: {  	(pc) =	sbr.rel $0x88, $3  }
0x1: {  	(tag) =	ssettag $0x0;
	lr =	simm.s32 $0x1  }
0x2: {  	[smem:$0x3F94] =	sst lr;
	_ =	strace $0xD0000000  }
0x3: {  	_ = 	snop  }
0x4: {  	_ = 	snop  }
0x5: {  	_ = 	snop  }
0x6: {  	_ = 	snop  }
0x7: {  	_ = 	snop  }
__scs_overlays_trampoline_lowered:
0x8: {  	[smem:$0x3FA3] =	sst s0  }
0x9: {  	[smem:$0x3FA4] =	sst s1  }
0xa: {  	[smem:$0x3FA5] =	sst s2  }
0xb: {  	[smem:$0x3FA6] =	sst s3  }
0xc: {  	[smem:$0x3FA7] =	sst s4  }
0xd: {  	[smem:$0x3FA8] =	sst s5  }
0xe: {  	[smem:$0x3FA9] =	sst s6  }
0xf: {  	[smem:$0x3FAA] =	sst s7  }
0x10: {  	[smem:$0x3FAB] =	sst s8  }
0x11: {  	[smem:$0x3FAC] =	sst s9;
	s0 =	simm.s32 @!p0 $0x0  }
0x12: {  	s1 =	sld [smem:$0x3F92];
	s0 =	simm.s32 @p0 $0x1  }
0x13: {  	[smem:$0x3FAD] =	sst s0;
	s0 =	simm.s32 @!p1 $0x0  }
0x14: {  	s2 =	sld [smem:$0x3F91];
	s0 =	simm.s32 @p1 $0x1  }
0x15: {  	[smem:$0x3FAE] =	sst s0;
	s0 =	simm.s32 @!p2 $0x0  }
0x16: {  	s3 =	sld [smem:$0x3FDB];
	s0 =	simm.s32 @p2 $0x1  }
0x17: {  	s4 =	simm.s32 $0x1BF5;
	[smem:$0x3FB0] =	sst s0  }
0x18: {  	s0 =	sld [smem:$0x3F93];
	_ =	swait.ge [sflag:s4], $0x0  }
0x19: {  	s7 =	sld [smem:$0x3F94]  }
0x1a: {  	s8 =	sadd.s32 $0xFFFFE003, lr  }
0x1b: {  	s9 =	sadd.s32 $0xFFFFFEF7, lr;
	s5 =	simm.s32 $0xFFFFFFFF;
	p2 =	slt.u32 s8, $0xFFFFF086  }
0x1c: {  	p1 =	slt.u32 s9, $0xF7A;
	s5 =	simm.s32 @!p2 $0x0  }
0x1d: {  	s5 =	simm.s32 @p1 $0x1;
	p0 =	seq.s32 s7, s2  }
0x1e: {  	s7 =	smul.u32 @!p0 $0xF7A, s2;
	p2 =	seq.s32 @!p0 s5, $0x0  }
0x1f: {  	s9 =	smul.u32 $0xF7A, s1;
	s8 =	simm.s32 @!p0 $0x1BF5;
	p2 =	por !p2, p0  }
0x20: {  	[sflag:s8] =	ssyncset.s32 @!p0 $0xFFFFF086;
	s6 =	sadd.s32 @!p0 s3, s7;
	s7 =	simm.s32 @!p0 $0x108  }
0x21: {  	s3 =	sadd.s32 s3, s9;
	s6 =	sadd.s32 @!p0 $0x88, s6;
	s7 =	simm.s32 @p2 $0x1082  }
0x22: {  	[simem:s7], [sflag:s8] =	dma.local @!p0 [hbm:s6], $0xF7A  }
0x23: {  	s9 =	sor.u32 $0xD0000000, s2;
	s6 =	simm.s32 $0x108;
	_ =	swait.ge @!p0 [sflag:s8], $0x0  }
0x24: {  	s3 =	sadd.s32 $0x88, s3;
	s6 =	simm.s32 @!p1 $0x1082;
	[sflag:s4] =	ssyncset.s32 $0xFFFFF086  }
0x25: {  	[simem:s6], [sflag:s4] =	dma.local [hbm:s3], $0xF7A  }
0x26: {  	[smem:$0x3F94] =	sst s1;
	(tag) =	ssettag s2;
	_ =	strace s9  }
0x27: {  	s1 =	sld [smem:$0x3FA4]  }
0x28: {  	s2 =	sld [smem:$0x3FA5]  }
0x29: {  	s4 =	sld [smem:$0x3FA7]  }
0x2a: {  	p0 =	seq.s32 s5, $0x0;
	s5 =	sld [smem:$0x3FA8]  }
0x2b: {  	s6 =	sld [smem:$0x3FA9]  }
0x2c: {  	s7 =	sld [smem:$0x3FAA]  }
0x2d: {  	s3 =	simm.s32 $0x108;
	s8 =	sld [smem:$0x3FAB]  }
0x2e: {  	s3 =	simm.s32 @!p0 $0x1082;
	s9 =	sld [smem:$0x3FAC]  }
0x2f: {  	lr =	sadd.s32 s0, s3;
	s0 =	sld [smem:$0x3FA3]  }
0x30: {  	s3 =	sld [smem:$0x3FA6]  }
0x31: {  	[smem:$0x3FAF] =	sst s10  }
0x32: {  	s10 =	sld [smem:$0x3FAD];
	_ =	sdelay $0x3  }
0x33: {  	p0 =	seq.s32 s10, $0x1;
	s10 =	sld [smem:$0x3FAF];
	_ =	sdelay $0x3  }
0x34: {  	[smem:$0x3FAF] =	sst s10  }
0x35: {  	s10 =	sld [smem:$0x3FAE];
	_ =	sdelay $0x3  }
0x36: {  	p1 =	seq.s32 s10, $0x1;
	s10 =	sld [smem:$0x3FAF];
	_ =	sdelay $0x3  }
0x37: {  	[smem:$0x3FAF] =	sst s10  }
0x38: {  	s10 =	sld [smem:$0x3FB0]  }
0x39: {  	_ = 	snop;
	(pc) =	sbr.ind lr, $3  }
0x3a: {  	_ = 	snop  }
0x3b: {  	_ = 	snop  }
0x3c: {  	p2 =	seq.s32 s10, $0x1;
	s10 =	sld [smem:$0x3FAF]  }
0x3d: {  	_ =	shalt  }
0x3e: {  	_ =	shalt  }
0x3f: {  	_ =	shalt  }
0x40: {  	_ =	shalt  }
0x41: {  	_ =	shalt  }
0x42: {  	_ =	shalt  }
0x43: {  	_ =	shalt  }
0x44: {  	_ =	shalt  }
0x45: {  	_ =	shalt  }
0x46: {  	_ =	shalt  }
0x47: {  	_ =	shalt  }
0x48: {  	_ =	shalt  }
0x49: {  	_ =	shalt  }
0x4a: {  	_ =	shalt  }
0x4b: {  	_ =	shalt  }
0x4c: {  	_ =	shalt  }
0x4d: {  	_ =	shalt  }
0x4e: {  	_ =	shalt  }
0x4f: {  	_ =	shalt  }
0x50: {  	_ =	shalt  }
0x51: {  	_ =	shalt  }
0x52: {  	_ =	shalt  }
0x53: {  	_ =	shalt  }
0x54: {  	_ =	shalt  }
0x55: {  	_ =	shalt  }
0x56: {  	_ =	shalt  }
0x57: {  	_ =	shalt  }
0x58: {  	_ =	shalt  }
0x59: {  	_ =	shalt  }
0x5a: {  	_ =	shalt  }
0x5b: {  	_ =	shalt  }
0x5c: {  	_ =	shalt  }
0x5d: {  	_ =	shalt  }
0x5e: {  	_ =	shalt  }
0x5f: {  	_ =	shalt  }
0x60: {  	_ =	shalt  }
0x61: {  	_ =	shalt  }
0x62: {  	_ =	shalt  }
0x63: {  	_ =	shalt  }
0x64: {  	_ =	shalt  }
0x65: {  	_ =	shalt  }
0x66: {  	_ =	shalt  }
0x67: {  	_ =	shalt  }
0x68: {  	_ =	shalt  }
0x69: {  	_ =	shalt  }
0x6a: {  	_ =	shalt  }
0x6b: {  	_ =	shalt  }
0x6c: {  	_ =	shalt  }
0x6d: {  	_ =	shalt  }
0x6e: {  	_ =	shalt  }
0x6f: {  	_ =	shalt  }
0x70: {  	_ =	shalt  }
0x71: {  	_ =	shalt  }
0x72: {  	_ =	shalt  }
0x73: {  	_ =	shalt  }
0x74: {  	_ =	shalt  }
0x75: {  	_ =	shalt  }
0x76: {  	_ =	shalt  }
0x77: {  	_ =	shalt  }
0x78: {  	_ =	shalt  }
0x79: {  	_ =	shalt  }
0x7a: {  	_ =	shalt  }
0x7b: {  	_ =	shalt  }
0x7c: {  	_ =	shalt  }
0x7d: {  	_ =	shalt  }
0x7e: {  	_ =	shalt  }
0x7f: {  	_ =	shalt  }
0x80: {  	_ =	shalt  }
0x81: {  	_ =	shalt  }
0x82: {  	_ =	shalt  }
0x83: {  	_ =	shalt  }
0x84: {  	_ =	shalt  }
0x85: {  	_ =	shalt  }
0x86: {  	_ =	shalt  }
0x87: {  	_ =	shalt  }
.Lfunc_end0:
.L_simem_size_0:
called_computation.1_lowered:
.L_overlay_start_0:
0x88: {  	s2 =	sld [smem:$0x3FD9]  }
0x89: {  	s3 =	sld [smem:$0x3FFE];
	_ =	sdelay $0x1  }
0x8a: {  	s1 =	srdreg.scid  }
0x8b: {  	s0 =	sand.u32 $0x1, s1  }
0x8c: {  	s17 =	sshll.u32 s0, $0xA;
	s2 =	sadd.s32 s3, s2  }
0x8d: {  	s2 =	sadd.s32 s2, s17  }
0x8e: {  	[smem:$0x3FBB] =	sst s2  }
0x8f: {  	_ = 	snop  }
0x90: {  	s2 =	sld [smem:$0x3FD0];
	(tm) =	ssettm $0x1  }
0x91: {  	s18 =	sld [smem:$0x3FFB];
	_ =	sdelay $0x3  }
0x92: {  	_ =	strace s18  }
0x93: {  	s3 =	sld [smem:$0x3FFC];
	_ =	sdelay $0x3  }
0x94: {  	_ =	strace s3  }
0x95: {  	s3 =	sld [smem:$0x3FFD];
	_ =	sdelay $0x3  }
0x96: {  	_ =	strace s3  }
0x97: {  	_ =	strace $0x8FFFFFFF  }
0x98: {  	s19 =	sld [smem:$0x3FDB];
	_ =	sdelay $0x1  }
0x99: {  	s4 =	simm.s32 $_scs_section_size  }
0x9a: {  	s5 =	simm.s32 $_size__tile_overlayer_lowered;
	s6 =	simm.s32 $_tile_overlayer_lowered  }
0x9b: {  	s22 =	simm.s32 $0x1BFF;
	s21 =	sshll.u32 s6, $0x1;
	s3 =	sadd.s32 s4, s19  }
0x9c: {  	s7 =	simm.s32 $0x0;
	s20 =	sshll.u32 s5, $0x1;
	s5 =	sadd.s32 s21, s3  }
0x9d: {  	[timem:s7], [sflag:s22] =	dma.local [hbm:s5], s20  }
0x9e: {  	_ =	swait.ge [sflag:s22], s20  }
0x9f: {  	s4 =	ssub.s32 $0x0, s20;
	[sflag:s22] =	ssyncset.done $0x0  }
0xa0: {  	[sflag:s22] =	ssyncadd.s32 s4;
	_ =	sdelay $0x1  }
0xa1: {  	s23 =	simm.s32 $0x1B8B  }
0xa2: {  	_ =	swait.ge [sflag:s23], $0x1  }
0xa3: {  	[sflag:s23] =	ssyncset.done $0x0  }
0xa4: {  	s25 =	simm.s32 $0x1B8E;
	s24 =	sld [smem:$0x3FFE];
	[sflag:s23] =	ssyncadd.s32 $0xFFFFFFFF  }
0xa5: {  	s26 =	simm.s32 $execute0_lowered;
	[smem:$0x3FD2] =	sst s25  }
0xa6: {  	s5 =	sshll.u32 s26, $0x1;
	_ =	strace $0x80000049;
	[dreg:$0x1] =	wrdreg $0xFFFFFFFF  }
0xa7: {  	s28 =	simm.s32 $_size_execute0_lowered;
	s3 =	sadd.s32 s3, s5;
	[dreg:$0x0] =	wrdreg $0x0  }
0xa8: {  	s5 =	sshll.u32 s28, $0x1;
	[dreg:$0x2] =	wrdreg s3  }
0xa9: {  	[dreg:$0x3] =	wrdreg s5  }
0xaa: {  	[dreg:$0x4] =	wrdreg $0xC0  }
0xab: {  	_ =	task [dreg:s7], $0x5FFFF  }
0xac: {  	[dreg:$0x1] =	wrdreg $0xFFFFFFFF  }
0xad: {  	[dreg:$0x0] =	wrdreg $0x60  }
0xae: {  	[dreg:$0x2] =	wrdreg s24  }
0xaf: {  	[dreg:$0x3] =	wrdreg s2  }
0xb0: {  	[dreg:$0x4] =	wrdreg $0xD7100  }
0xb1: {  	[dreg:$0x5] =	wrdreg $0x127100  }
0xb2: {  	[dreg:$0x6] =	wrdreg $0x9  }
0xb3: {  	_ =	task.clear_ibuf [dreg:s7], $0x7FFFF;
	_ =	strace $0x90000049  }
0xb4: {  	s29 =	simm.s32 $0x9;
	_ =	strace $0x8000004B  }
0xb5: {  	_ =	swait.ge [sflag:s29], $0x1  }
0xb6: {  	[sflag:s29] =	ssyncadd.s32 $0xFFFFFFFF  }
0xb7: {  	_ =	strace $0x9000004B  }
0xb8: {  	_ =	sfence  }
0xb9: {  	s30 =	sld [smem:$0x0];
	_ =	sdelay $0x2  }
0xba: {  	s31 =	sshll.u32 s1, $0xD;
	s1 =	sshrl.u32 s1, $0x2  }
0xbb: {  	s3 =	sand.u32 $0x4000, s31;
	s1 =	sadd.s32 s1, s30  }
0xbc: {  	s0 =	sor.u32 s3, s0;
	s1 =	sshll.u32 s1, $0x11  }
0xbd: {  	s0 =	sor.u32 s1, s0  }
0xbe: {  	s0 =	sadd.s32 $0x8F2B, s0  }
0xbf: {  	[sflag:s0] =	ssyncadd.remote.s32 $0x1  }
0xc0: {  	_ =	sfence.sel $0xFFFF  }
0xc1: {  	[dreg:$0x0] =	wrdreg $0xFFFFFFFF;
	(pc) =	sbr.abs _section_cstart, $3  }
0xc2: {  	[dreg:$0x1] =	wrdreg $0xFFFFFFFF  }
0xc3: {  	_ =	task.clear_ibuf [dreg:s7], $0x2FFFF;
	_ =	strace $0x9FFFFFFF  }
0xc4: {  	(tm) =	ssettm $0x7FFFFFFF  }
0xc5: {  	_ =	shalt  }
tec
execute0_lowered:
.L_overlay_start_1:
0x0: {  	(tag) =	ssettag $0x1  }
0x1: {  	s7 =	rddreg [dreg:$0x0]  }
0x2: {  	s1 =	rddreg [dreg:$0x1]  }
0x3: {  	s2 =	rddreg [dreg:$0x2]  }
0x4: {  	s3 =	rddreg [dreg:$0x3];
	s12 =	srdreg.scid;
	s4 =	simm.s32 $0x0  }
0x5: {  	s0 =	stileid.u32;
	[dreg:$0x5] =	wrdreg s1;
	s30 =	sand.u32 $0x1, s12  }
0x6: {  	[smem:$0x7FF] =	sst s4;
	s13 =	smov.u32 s7;
	s5 =	sshll.u32 s30, $0x4  }
0x7: {  	s7 =	sadd.s32 $0x4EEC00, s7;
	s9 =	smul.u32 $0x14000, s0;
	s5 =	sor.u32 s0, s5  }
0x8: {  	_ =	strace $0x8000004A;
	s8 =	sadd.s32 $0x3200, s13;
	s6 =	smul.u32 $0x278, s5  }
0x9: {  	s10 =	sadd.s32 $0x2C00, s13;
	[dreg:$0x6] =	wrdreg s8;
	s14 =	smul.u32 $0x13880, s5  }
0xa: {  	s16 =	sshll.u32 s0, $0x6;
	[dreg:$0x7] =	wrdreg s10;
	s5 =	smul.u32 $0x9C400, s5  }
0xb: {  	s19 =	smul.u32 $0xA000, s0;
	s9 =	sshrl.u32 s9, $0x2;
	s18 =	rddreg [dreg:$0x5]  }
0xc: {  	s6 =	sadd.s32 s6, s13;
	s15 =	sadd.s32 s7, s14;
	s5 =	sshrl.u32 s5, $0x3  }
0xd: {  	s6 =	sadd.s32 $0x4E9C00, s6;
	[dreg:$0x9] =	wrdreg s15;
	s26 =	sadd.s32 s7, s5  }
0xe: {  	s9 =	sadd.s32 s9, s2;
	[dreg:$0x8] =	wrdreg s6;
	s17 =	sadd.s32 $0x2710, s26  }
0xf: {  	s5 =	sor.u32 $0x1C03, s16;
	s20 =	sadd.s32 $0x4E20, s26;
	[dreg:$0xa] =	wrdreg s17  }
0x10: {  	s7 =	sshrl.u32 s9, $0x3;
	s6 =	simm.s32 $0x3;
	[dreg:$0xb] =	wrdreg s20  }
0x11: {  	[spmem:s7], [sflag:s5] =	dma.local [hbm:s18], $0xA00  }
0x12: {  	s21 =	sshrl.u32 s19, $0x2;
	_ =	swait.ge [sflag:s6], $0xA00  }
0x13: {  	s8 =	sadd.s32 s21, s3;
	[sflag:s6] =	ssyncset.done $0x0  }
0x14: {  	s8 =	sshrl.u32 s8, $0x3;
	s22 =	rddreg [dreg:$0x6];
	[sflag:s6] =	ssyncadd.s32 $0xFFFFF600  }
0x15: {  	[spmem:s8], [sflag:s5] =	dma.local [hbm:s22], $0x500  }
0x16: {  	_ =	swait.ge [sflag:s6], $0x500  }
0x17: {  	[sflag:s6] =	ssyncset.done $0x0  }
0x18: {  	s9 =	simm.s32 $0xB000;
	s23 =	rddreg [dreg:$0x7];
	[sflag:s6] =	ssyncadd.s32 $0xFFFFFB00  }
0x19: {  	[tilespmem:s9], [sflag:$0x3] =	stream.linear.gather [hbm4b:s23+s4], $0x2710, $0x38;
	[tilespmem:$0x14F10] =	vst v63  }
0x1a: {  	_ =	swait.ge [sflag:s6], $0x2710  }
0x1b: {  	[sflag:s6] =	ssyncset.done $0x0  }
0x1c: {  	s24 =	rddreg [dreg:$0x8];
	[sflag:s6] =	ssyncadd.s32 $0xFFFFD8F0  }
0x1d: {  	[tilespmem:s4], [sflag:$0x3] =	stream.linear.gather [hbm4b:s24+s4], $0x13C0, $0x38;
	[tilespmem:$0x14F10] =	vst v63  }
0x1e: {  	_ =	swait.ge [sflag:s6], $0x13C0  }
0x1f: {  	[sflag:s6] =	ssyncset.done $0x0  }
0x20: {  	[sflag:s6] =	ssyncadd.s32 $0xFFFFEC40  }
0x21: {  	s11 =	simm.s32 $0x80;
	[bflag:$0x0] =	sbarrier.arrive $0xFFFF  }
0x22: {  	s12 =	simm.s32 $0x13C0;
	s10 =	simm.s32 $0x20;
	s13 =	rddreg [dreg:$0x9]  }
0x23: {  	[tilespmem:s12], [sflag:$0x1] =	stream.strided.gather [hbm4b:s13+s10], $0x4E20, s11, s10, $0x38;
	[tilespmem:$0x14F10] =	vst v63  }
0x24: {  	s14 =	simm.s32 $0x1;
	s15 =	rddreg [dreg:$0xa];
	s13 =	simm.s32 $0x61E0  }
0x25: {  	[tilespmem:s13], [sflag:$0x2] =	stream.strided.gather [hbm4b:s15+s10], $0x4E20, s11, s10, $0x38;
	[tilespmem:$0x14F10] =	vst v63  }
0x26: {  	_ =	swait.ge [sflag:s14], $0x4E20  }
0x27: {  	[sflag:s14] =	ssyncset.done $0x0  }
0x28: {  	s15 =	simm.s32 $0x271;
	[sflag:s14] =	ssyncadd.s32 $0xFFFFB1E0  }
0x29: {  	[spmem:s2] =	stream.indirect.scatter.add.f32 [tilespmem:s12], [sflag:$0x3], $0x20, s4, s15, $0xb8;
	[tilespmem:$0x14F10] =	vst v63  }
0x2a: {  	_ =	swait.ge [sflag:s6], $0x4E20  }
0x2b: {  	[sflag:s6] =	ssyncset.done $0x0  }
0x2c: {  	[sflag:s6] =	ssyncadd.s32 $0xFFFFB1E0  }
0x2d: {  	[spmem:s3] =	stream.indirect.scatter.add.f32 [tilespmem:s9], [sflag:$0x3], $0x10, s4, s15, $0xb8;
	[tilespmem:$0x14F10] =	vst v63  }
0x2e: {  	_ =	swait.ge [sflag:s6], $0x2710  }
0x2f: {  	[sflag:s6] =	ssyncset.done $0x0  }
0x30: {  	s16 =	simm.s32 $0x2;
	s17 =	rddreg [dreg:$0xb];
	[sflag:s6] =	ssyncadd.s32 $0xFFFFD8F0  }
0x31: {  	[tilespmem:s12], [sflag:$0x1] =	stream.strided.gather [hbm4b:s17+s10], $0x4E20, s11, s10, $0x38;
	[tilespmem:$0x14F10] =	vst v63  }
0x32: {  	_ =	swait.ge [sflag:s16], $0x4E20  }
0x33: {  	[sflag:s16] =	ssyncset.done $0x0  }
0x34: {  	s25 =	simm.s32 $0x278;
	[sflag:s16] =	ssyncadd.s32 $0xFFFFB1E0  }
0x35: {  	[spmem:s2] =	stream.indirect.scatter.add.f32 [tilespmem:s13], [sflag:$0x3], $0x20, s25, s15, $0xb8;
	[tilespmem:$0x14F10] =	vst v63  }
0x36: {  	_ =	swait.ge [sflag:s6], $0x4E20  }
0x37: {  	[sflag:s6] =	ssyncset.done $0x0  }
0x38: {  	[sflag:s6] =	ssyncadd.s32 $0xFFFFB1E0  }
0x39: {  	[spmem:s3] =	stream.indirect.scatter.add.f32 [tilespmem:s9], [sflag:$0x3], $0x10, s25, s15, $0xb8;
	[tilespmem:$0x14F10] =	vst v63  }
0x3a: {  	_ =	swait.ge [sflag:s6], $0x2710  }
0x3b: {  	[sflag:s6] =	ssyncset.done $0x0  }
0x3c: {  	s18 =	sadd.s32 $0x7530, s26;
	[sflag:s6] =	ssyncadd.s32 $0xFFFFD8F0  }
0x3d: {  	[tilespmem:s13], [sflag:$0x2] =	stream.strided.gather [hbm4b:s18+s10], $0x4E20, s11, s10, $0x38;
	[tilespmem:$0x14F10] =	vst v63  }
0x3e: {  	_ =	swait.ge [sflag:s14], $0x4E20  }
0x3f: {  	[sflag:s14] =	ssyncset.done $0x0  }
0x40: {  	s19 =	simm.s32 $0x4F0;
	[sflag:s14] =	ssyncadd.s32 $0xFFFFB1E0  }
0x41: {  	[spmem:s2] =	stream.indirect.scatter.add.f32 [tilespmem:s12], [sflag:$0x3], $0x20, s19, s15, $0xb8;
	[tilespmem:$0x14F10] =	vst v63  }
0x42: {  	_ =	swait.ge [sflag:s6], $0x4E20  }
0x43: {  	[sflag:s6] =	ssyncset.done $0x0  }
0x44: {  	[sflag:s6] =	ssyncadd.s32 $0xFFFFB1E0  }
0x45: {  	[spmem:s3] =	stream.indirect.scatter.add.f32 [tilespmem:s9], [sflag:$0x3], $0x10, s19, s15, $0xb8;
	[tilespmem:$0x14F10] =	vst v63  }
0x46: {  	_ =	swait.ge [sflag:s6], $0x2710  }
0x47: {  	[sflag:s6] =	ssyncset.done $0x0  }
0x48: {  	s20 =	sadd.s32 $0x9C40, s26;
	[sflag:s6] =	ssyncadd.s32 $0xFFFFD8F0  }
0x49: {  	[tilespmem:s12], [sflag:$0x1] =	stream.strided.gather [hbm4b:s20+s10], $0x4E20, s11, s10, $0x38;
	[tilespmem:$0x14F10] =	vst v63  }
0x4a: {  	_ =	swait.ge [sflag:s16], $0x4E20  }
0x4b: {  	[sflag:s16] =	ssyncset.done $0x0  }
0x4c: {  	s21 =	simm.s32 $0x768;
	[sflag:s16] =	ssyncadd.s32 $0xFFFFB1E0  }
0x4d: {  	[spmem:s2] =	stream.indirect.scatter.add.f32 [tilespmem:s13], [sflag:$0x3], $0x20, s21, s15, $0xb8;
	[tilespmem:$0x14F10] =	vst v63  }
0x4e: {  	_ =	swait.ge [sflag:s6], $0x4E20  }
0x4f: {  	[sflag:s6] =	ssyncset.done $0x0  }
0x50: {  	[sflag:s6] =	ssyncadd.s32 $0xFFFFB1E0  }
0x51: {  	[spmem:s3] =	stream.indirect.scatter.add.f32 [tilespmem:s9], [sflag:$0x3], $0x10, s21, s15, $0xb8;
	[tilespmem:$0x14F10] =	vst v63  }
0x52: {  	_ =	swait.ge [sflag:s6], $0x2710  }
0x53: {  	[sflag:s6] =	ssyncset.done $0x0  }
0x54: {  	s22 =	sadd.s32 $0xC350, s26;
	[sflag:s6] =	ssyncadd.s32 $0xFFFFD8F0  }
0x55: {  	[tilespmem:s13], [sflag:$0x2] =	stream.strided.gather [hbm4b:s22+s10], $0x4E20, s11, s10, $0x38;
	[tilespmem:$0x14F10] =	vst v63  }
0x56: {  	_ =	swait.ge [sflag:s14], $0x4E20  }
0x57: {  	[sflag:s14] =	ssyncset.done $0x0  }
0x58: {  	s23 =	simm.s32 $0x9E0;
	[sflag:s14] =	ssyncadd.s32 $0xFFFFB1E0  }
0x59: {  	[spmem:s2] =	stream.indirect.scatter.add.f32 [tilespmem:s12], [sflag:$0x3], $0x20, s23, s15, $0xb8;
	[tilespmem:$0x14F10] =	vst v63  }
0x5a: {  	_ =	swait.ge [sflag:s6], $0x4E20  }
0x5b: {  	[sflag:s6] =	ssyncset.done $0x0  }
0x5c: {  	[sflag:s6] =	ssyncadd.s32 $0xFFFFB1E0  }
0x5d: {  	[spmem:s3] =	stream.indirect.scatter.add.f32 [tilespmem:s9], [sflag:$0x3], $0x10, s23, s15, $0xb8;
	[tilespmem:$0x14F10] =	vst v63  }
0x5e: {  	_ =	swait.ge [sflag:s6], $0x2710  }
0x5f: {  	[sflag:s6] =	ssyncset.done $0x0  }
0x60: {  	s24 =	sadd.s32 $0xEA60, s26;
	[sflag:s6] =	ssyncadd.s32 $0xFFFFD8F0  }
0x61: {  	[tilespmem:s12], [sflag:$0x1] =	stream.strided.gather [hbm4b:s24+s10], $0x4E20, s11, s10, $0x38;
	[tilespmem:$0x14F10] =	vst v63  }
0x62: {  	_ =	swait.ge [sflag:s16], $0x4E20  }
0x63: {  	[sflag:s16] =	ssyncset.done $0x0  }
0x64: {  	s25 =	simm.s32 $0xC58;
	[sflag:s16] =	ssyncadd.s32 $0xFFFFB1E0  }
0x65: {  	[spmem:s2] =	stream.indirect.scatter.add.f32 [tilespmem:s13], [sflag:$0x3], $0x20, s25, s15, $0xb8;
	[tilespmem:$0x14F10] =	vst v63  }
0x66: {  	_ =	swait.ge [sflag:s6], $0x4E20  }
0x67: {  	[sflag:s6] =	ssyncset.done $0x0  }
0x68: {  	[sflag:s6] =	ssyncadd.s32 $0xFFFFB1E0  }
0x69: {  	[spmem:s3] =	stream.indirect.scatter.add.f32 [tilespmem:s9], [sflag:$0x3], $0x10, s25, s15, $0xb8;
	[tilespmem:$0x14F10] =	vst v63  }
0x6a: {  	_ =	swait.ge [sflag:s6], $0x2710  }
0x6b: {  	[sflag:s6] =	ssyncset.done $0x0  }
0x6c: {  	s26 =	sadd.s32 $0x11170, s26;
	[sflag:s6] =	ssyncadd.s32 $0xFFFFD8F0  }
0x6d: {  	[tilespmem:s13], [sflag:$0x2] =	stream.strided.gather [hbm4b:s26+s10], $0x4E20, s11, s10, $0x38;
	[tilespmem:$0x14F10] =	vst v63  }
0x6e: {  	_ =	swait.ge [sflag:s14], $0x4E20  }
0x6f: {  	[sflag:s14] =	ssyncset.done $0x0  }
0x70: {  	s28 =	simm.s32 $0xED0;
	[sflag:s14] =	ssyncadd.s32 $0xFFFFB1E0  }
0x71: {  	[spmem:s2] =	stream.indirect.scatter.add.f32 [tilespmem:s12], [sflag:$0x3], $0x20, s28, s15, $0xb8;
	[tilespmem:$0x14F10] =	vst v63  }
0x72: {  	_ =	swait.ge [sflag:s6], $0x4E20  }
0x73: {  	[sflag:s6] =	ssyncset.done $0x0  }
0x74: {  	[sflag:s6] =	ssyncadd.s32 $0xFFFFB1E0  }
0x75: {  	[spmem:s3] =	stream.indirect.scatter.add.f32 [tilespmem:s9], [sflag:$0x3], $0x10, s28, s15, $0xb8;
	[tilespmem:$0x14F10] =	vst v63  }
0x76: {  	_ =	swait.ge [sflag:s6], $0x2710  }
0x77: {  	[sflag:s6] =	ssyncset.done $0x0  }
0x78: {  	[sflag:s6] =	ssyncadd.s32 $0xFFFFD8F0  }
0x79: {  	_ =	swait.ge [sflag:s16], $0x4E20  }
0x7a: {  	[sflag:s16] =	ssyncset.done $0x0  }
0x7b: {  	s29 =	simm.s32 $0x1148;
	[sflag:s16] =	ssyncadd.s32 $0xFFFFB1E0  }
0x7c: {  	[spmem:s2] =	stream.indirect.scatter.add.f32 [tilespmem:s13], [sflag:$0x3], $0x20, s29, s15, $0xb8;
	[tilespmem:$0x14F10] =	vst v63  }
0x7d: {  	_ =	swait.ge [sflag:s6], $0x4E20  }
0x7e: {  	s31 =	smul.u32 $0x280, s0;
	[sflag:s6] =	ssyncset.done $0x0  }
0x7f: {  	s17 =	smul.u32 $0x2800, s30;
	[sflag:s6] =	ssyncadd.s32 $0xFFFFB1E0  }
0x80: {  	[spmem:s3] =	stream.indirect.scatter.add.f32 [tilespmem:s9], [sflag:$0x3], $0x10, s29, s15, $0xb8;
	[tilespmem:$0x14F10] =	vst v63  }
0x81: {  	_ =	swait.ge [sflag:s6], $0x2710  }
0x82: {  	s1 =	sadd.s32 s31, s17;
	[sflag:s6] =	ssyncset.done $0x0  }
0x83: {  	s31 =	sshll.u32 s1, $0x2;
	s17 =	rddreg [dreg:$0x0]  }
0x84: {  	s0 =	ssub.s32 $0x2, s30;
	[sflag:s6] =	ssyncadd.s32 $0xFFFFD8F0;
	s31 =	sadd.s32 s31, s17  }
0x85: {  	[bflag:$0x0] =	sbarrier.arrive $0xFFFF;
	s30 =	sadd.s32 $0xD800, s31;
	s31 =	sshrl.u32 s0, $0x1  }
0x86: {  	[hbm:s30], [sflag:s5] =	dma.local [spmem:s7], $0xA00  }
0x87: {  	s0 =	ssub.s32 s0, s31  }
0x88: {  	s0 =	smax.u32 s0, $0x1  }
0x89: {  	p0 =	sne.s32 s0, $0x1  }
.Ltmp0:
0x8a: {  	s1 =	sshll.u32 s1, $0x1;
	_ =	swait.ge [sflag:s6], $0xA00;
	(pc) =	sbr.rel @!p0 .LBB2_2-.Ltmp0, $4  }
0x8b: {  	s1 =	sadd.s32 s1, s17;
	[sflag:s6] =	ssyncset.done $0x0  }
0x8c: {  	s31 =	sadd.s32 $0x3800, s1;
	[sflag:s6] =	ssyncadd.s32 $0xFFFFF600  }
0x8d: {  	[hbm:s31], [sflag:s5] =	dma.local [spmem:s8], $0x500  }
0x8e: {  	s0 =	sadd.s32 $0xFFFFFFFF, s0;
	_ =	swait.ge [sflag:s6], $0x500  }
.LBB2_1:
0x8f: {  	[sflag:s6] =	ssyncset.done $0x0  }
0x90: {  	s1 =	rddreg [dreg:$0x5];
	[sflag:s6] =	ssyncadd.s32 $0xFFFFFB00  }
0x91: {  	[spmem:s7], [sflag:s5] =	dma.local [hbm:s1], $0xA00  }
0x92: {  	_ =	swait.ge [sflag:s6], $0xA00  }
0x93: {  	[sflag:s6] =	ssyncset.done $0x0  }
0x94: {  	s17 =	rddreg [dreg:$0x6];
	[sflag:s6] =	ssyncadd.s32 $0xFFFFF600  }
0x95: {  	[spmem:s8], [sflag:s5] =	dma.local [hbm:s17], $0x500  }
0x96: {  	_ =	swait.ge [sflag:s6], $0x500  }
0x97: {  	[sflag:s6] =	ssyncset.done $0x0  }
0x98: {  	s17 =	rddreg [dreg:$0x7];
	[sflag:s6] =	ssyncadd.s32 $0xFFFFFB00  }
0x99: {  	[tilespmem:s9], [sflag:$0x3] =	stream.linear.gather [hbm4b:s17+s4], $0x2710, $0x38;
	[tilespmem:$0x14F10] =	vst v63  }
0x9a: {  	_ =	swait.ge [sflag:s6], $0x2710  }
0x9b: {  	[sflag:s6] =	ssyncset.done $0x0  }
0x9c: {  	s17 =	rddreg [dreg:$0x8];
	[sflag:s6] =	ssyncadd.s32 $0xFFFFD8F0  }
0x9d: {  	[tilespmem:s4], [sflag:$0x3] =	stream.linear.gather [hbm4b:s17+s4], $0x13C0, $0x38;
	[tilespmem:$0x14F10] =	vst v63  }
0x9e: {  	_ =	swait.ge [sflag:s6], $0x13C0  }
0x9f: {  	[sflag:s6] =	ssyncset.done $0x0  }
0xa0: {  	[sflag:s6] =	ssyncadd.s32 $0xFFFFEC40  }
0xa1: {  	[bflag:$0x0] =	sbarrier.arrive $0xFFFF  }
0xa2: {  	s1 =	rddreg [dreg:$0x9]  }
0xa3: {  	[tilespmem:s12], [sflag:$0x1] =	stream.strided.gather [hbm4b:s1+s10], $0x4E20, s11, s10, $0x38;
	[tilespmem:$0x14F10] =	vst v63  }
0xa4: {  	s17 =	rddreg [dreg:$0xa]  }
0xa5: {  	[tilespmem:s13], [sflag:$0x2] =	stream.strided.gather [hbm4b:s17+s10], $0x4E20, s11, s10, $0x38;
	[tilespmem:$0x14F10] =	vst v63  }
0xa6: {  	_ =	swait.ge [sflag:s14], $0x4E20  }
0xa7: {  	[sflag:s14] =	ssyncset.done $0x0  }
0xa8: {  	[sflag:s14] =	ssyncadd.s32 $0xFFFFB1E0  }
0xa9: {  	[spmem:s2] =	stream.indirect.scatter.add.f32 [tilespmem:s12], [sflag:$0x3], $0x20, s4, s15, $0xb8;
	[tilespmem:$0x14F10] =	vst v63  }
0xaa: {  	_ =	swait.ge [sflag:s6], $0x4E20  }
0xab: {  	[sflag:s6] =	ssyncset.done $0x0  }
0xac: {  	[sflag:s6] =	ssyncadd.s32 $0xFFFFB1E0  }
0xad: {  	[spmem:s3] =	stream.indirect.scatter.add.f32 [tilespmem:s9], [sflag:$0x3], $0x10, s4, s15, $0xb8;
	[tilespmem:$0x14F10] =	vst v63  }
0xae: {  	_ =	swait.ge [sflag:s6], $0x2710  }
0xaf: {  	[sflag:s6] =	ssyncset.done $0x0  }
0xb0: {  	s17 =	rddreg [dreg:$0xb];
	[sflag:s6] =	ssyncadd.s32 $0xFFFFD8F0  }
0xb1: {  	[tilespmem:s12], [sflag:$0x1] =	stream.strided.gather [hbm4b:s17+s10], $0x4E20, s11, s10, $0x38;
	[tilespmem:$0x14F10] =	vst v63  }
0xb2: {  	_ =	swait.ge [sflag:s16], $0x4E20  }
0xb3: {  	[sflag:s16] =	ssyncset.done $0x0  }
0xb4: {  	s17 =	simm.s32 $0x278;
	[sflag:s16] =	ssyncadd.s32 $0xFFFFB1E0  }
0xb5: {  	[spmem:s2] =	stream.indirect.scatter.add.f32 [tilespmem:s13], [sflag:$0x3], $0x20, s17, s15, $0xb8;
	[tilespmem:$0x14F10] =	vst v63  }
0xb6: {  	_ =	swait.ge [sflag:s6], $0x4E20  }
0xb7: {  	[sflag:s6] =	ssyncset.done $0x0  }
0xb8: {  	[sflag:s6] =	ssyncadd.s32 $0xFFFFB1E0  }
0xb9: {  	[spmem:s3] =	stream.indirect.scatter.add.f32 [tilespmem:s9], [sflag:$0x3], $0x10, s17, s15, $0xb8;
	[tilespmem:$0x14F10] =	vst v63  }
0xba: {  	_ =	swait.ge [sflag:s6], $0x2710  }
0xbb: {  	[sflag:s6] =	ssyncset.done $0x0  }
0xbc: {  	[sflag:s6] =	ssyncadd.s32 $0xFFFFD8F0  }
0xbd: {  	[tilespmem:s13], [sflag:$0x2] =	stream.strided.gather [hbm4b:s18+s10], $0x4E20, s11, s10, $0x38;
	[tilespmem:$0x14F10] =	vst v63  }
0xbe: {  	_ =	swait.ge [sflag:s14], $0x4E20  }
0xbf: {  	[sflag:s14] =	ssyncset.done $0x0  }
0xc0: {  	[sflag:s14] =	ssyncadd.s32 $0xFFFFB1E0  }
0xc1: {  	[spmem:s2] =	stream.indirect.scatter.add.f32 [tilespmem:s12], [sflag:$0x3], $0x20, s19, s15, $0xb8;
	[tilespmem:$0x14F10] =	vst v63  }
0xc2: {  	_ =	swait.ge [sflag:s6], $0x4E20  }
0xc3: {  	[sflag:s6] =	ssyncset.done $0x0  }
0xc4: {  	[sflag:s6] =	ssyncadd.s32 $0xFFFFB1E0  }
0xc5: {  	[spmem:s3] =	stream.indirect.scatter.add.f32 [tilespmem:s9], [sflag:$0x3], $0x10, s19, s15, $0xb8;
	[tilespmem:$0x14F10] =	vst v63  }
0xc6: {  	_ =	swait.ge [sflag:s6], $0x2710  }
0xc7: {  	[sflag:s6] =	ssyncset.done $0x0  }
0xc8: {  	[sflag:s6] =	ssyncadd.s32 $0xFFFFD8F0  }
0xc9: {  	[tilespmem:s12], [sflag:$0x1] =	stream.strided.gather [hbm4b:s20+s10], $0x4E20, s11, s10, $0x38;
	[tilespmem:$0x14F10] =	vst v63  }
0xca: {  	_ =	swait.ge [sflag:s16], $0x4E20  }
0xcb: {  	[sflag:s16] =	ssyncset.done $0x0  }
0xcc: {  	[sflag:s16] =	ssyncadd.s32 $0xFFFFB1E0  }
0xcd: {  	[spmem:s2] =	stream.indirect.scatter.add.f32 [tilespmem:s13], [sflag:$0x3], $0x20, s21, s15, $0xb8;
	[tilespmem:$0x14F10] =	vst v63  }
0xce: {  	_ =	swait.ge [sflag:s6], $0x4E20  }
0xcf: {  	[sflag:s6] =	ssyncset.done $0x0  }
0xd0: {  	[sflag:s6] =	ssyncadd.s32 $0xFFFFB1E0  }
0xd1: {  	[spmem:s3] =	stream.indirect.scatter.add.f32 [tilespmem:s9], [sflag:$0x3], $0x10, s21, s15, $0xb8;
	[tilespmem:$0x14F10] =	vst v63  }
0xd2: {  	_ =	swait.ge [sflag:s6], $0x2710  }
0xd3: {  	[sflag:s6] =	ssyncset.done $0x0  }
0xd4: {  	[sflag:s6] =	ssyncadd.s32 $0xFFFFD8F0  }
0xd5: {  	[tilespmem:s13], [sflag:$0x2] =	stream.strided.gather [hbm4b:s22+s10], $0x4E20, s11, s10, $0x38;
	[tilespmem:$0x14F10] =	vst v63  }
0xd6: {  	_ =	swait.ge [sflag:s14], $0x4E20  }
0xd7: {  	[sflag:s14] =	ssyncset.done $0x0  }
0xd8: {  	[sflag:s14] =	ssyncadd.s32 $0xFFFFB1E0  }
0xd9: {  	[spmem:s2] =	stream.indirect.scatter.add.f32 [tilespmem:s12], [sflag:$0x3], $0x20, s23, s15, $0xb8;
	[tilespmem:$0x14F10] =	vst v63  }
0xda: {  	_ =	swait.ge [sflag:s6], $0x4E20  }
0xdb: {  	[sflag:s6] =	ssyncset.done $0x0  }
0xdc: {  	[sflag:s6] =	ssyncadd.s32 $0xFFFFB1E0  }
0xdd: {  	[spmem:s3] =	stream.indirect.scatter.add.f32 [tilespmem:s9], [sflag:$0x3], $0x10, s23, s15, $0xb8;
	[tilespmem:$0x14F10] =	vst v63  }
0xde: {  	_ =	swait.ge [sflag:s6], $0x2710  }
0xdf: {  	[sflag:s6] =	ssyncset.done $0x0  }
0xe0: {  	[sflag:s6] =	ssyncadd.s32 $0xFFFFD8F0  }
0xe1: {  	[tilespmem:s12], [sflag:$0x1] =	stream.strided.gather [hbm4b:s24+s10], $0x4E20, s11, s10, $0x38;
	[tilespmem:$0x14F10] =	vst v63  }
0xe2: {  	_ =	swait.ge [sflag:s16], $0x4E20  }
0xe3: {  	[sflag:s16] =	ssyncset.done $0x0  }
0xe4: {  	[sflag:s16] =	ssyncadd.s32 $0xFFFFB1E0  }
0xe5: {  	[spmem:s2] =	stream.indirect.scatter.add.f32 [tilespmem:s13], [sflag:$0x3], $0x20, s25, s15, $0xb8;
	[tilespmem:$0x14F10] =	vst v63  }
0xe6: {  	_ =	swait.ge [sflag:s6], $0x4E20  }
0xe7: {  	[sflag:s6] =	ssyncset.done $0x0  }
0xe8: {  	[sflag:s6] =	ssyncadd.s32 $0xFFFFB1E0  }
0xe9: {  	[spmem:s3] =	stream.indirect.scatter.add.f32 [tilespmem:s9], [sflag:$0x3], $0x10, s25, s15, $0xb8;
	[tilespmem:$0x14F10] =	vst v63  }
0xea: {  	_ =	swait.ge [sflag:s6], $0x2710  }
0xeb: {  	[sflag:s6] =	ssyncset.done $0x0  }
0xec: {  	[sflag:s6] =	ssyncadd.s32 $0xFFFFD8F0  }
0xed: {  	[tilespmem:s13], [sflag:$0x2] =	stream.strided.gather [hbm4b:s26+s10], $0x4E20, s11, s10, $0x38;
	[tilespmem:$0x14F10] =	vst v63  }
0xee: {  	_ =	swait.ge [sflag:s14], $0x4E20  }
0xef: {  	[sflag:s14] =	ssyncset.done $0x0  }
0xf0: {  	[sflag:s14] =	ssyncadd.s32 $0xFFFFB1E0  }
0xf1: {  	[spmem:s2] =	stream.indirect.scatter.add.f32 [tilespmem:s12], [sflag:$0x3], $0x20, s28, s15, $0xb8;
	[tilespmem:$0x14F10] =	vst v63  }
0xf2: {  	_ =	swait.ge [sflag:s6], $0x4E20  }
0xf3: {  	[sflag:s6] =	ssyncset.done $0x0  }
0xf4: {  	[sflag:s6] =	ssyncadd.s32 $0xFFFFB1E0  }
0xf5: {  	[spmem:s3] =	stream.indirect.scatter.add.f32 [tilespmem:s9], [sflag:$0x3], $0x10, s28, s15, $0xb8;
	[tilespmem:$0x14F10] =	vst v63  }
0xf6: {  	_ =	swait.ge [sflag:s6], $0x2710  }
0xf7: {  	[sflag:s6] =	ssyncset.done $0x0  }
0xf8: {  	[sflag:s6] =	ssyncadd.s32 $0xFFFFD8F0  }
0xf9: {  	_ =	swait.ge [sflag:s16], $0x4E20  }
0xfa: {  	[sflag:s16] =	ssyncset.done $0x0  }
0xfb: {  	[sflag:s16] =	ssyncadd.s32 $0xFFFFB1E0  }
0xfc: {  	[spmem:s2] =	stream.indirect.scatter.add.f32 [tilespmem:s13], [sflag:$0x3], $0x20, s29, s15, $0xb8;
	[tilespmem:$0x14F10] =	vst v63  }
0xfd: {  	_ =	swait.ge [sflag:s6], $0x4E20  }
0xfe: {  	[sflag:s6] =	ssyncset.done $0x0  }
0xff: {  	[sflag:s6] =	ssyncadd.s32 $0xFFFFB1E0  }
0x100: {  	[spmem:s3] =	stream.indirect.scatter.add.f32 [tilespmem:s9], [sflag:$0x3], $0x10, s29, s15, $0xb8;
	[tilespmem:$0x14F10] =	vst v63  }
0x101: {  	_ =	swait.ge [sflag:s6], $0x2710  }
0x102: {  	[sflag:s6] =	ssyncset.done $0x0  }
0x103: {  	[sflag:s6] =	ssyncadd.s32 $0xFFFFD8F0  }
0x104: {  	p0 =	sne.s32 s0, $0x1;
	[bflag:$0x0] =	sbarrier.arrive $0xFFFF  }
0x105: {  	[hbm:s30], [sflag:s5] =	dma.local [spmem:s7], $0xA00  }
.Ltmp1:
0x106: {  	_ =	swait.ge [sflag:s6], $0xA00;
	(pc) =	sbr.rel @p0 .LBB2_1-.Ltmp1, $4  }
0x107: {  	[sflag:s6] =	ssyncset.done $0x0  }
0x108: {  	[sflag:s6] =	ssyncadd.s32 $0xFFFFF600  }
0x109: {  	[hbm:s31], [sflag:s5] =	dma.local [spmem:s8], $0x500  }
0x10a: {  	s0 =	sadd.s32 $0xFFFFFFFF, s0;
	_ =	swait.ge [sflag:s6], $0x500  }
.LBB2_2:
0x10b: {  	[sflag:s6] =	ssyncset.done $0x0  }
0x10c: {  	[sflag:s6] =	ssyncadd.s32 $0xFFFFFB00  }
0x10d: {  	_ =	sfence.sel $0x180000  }
0x10e: {  	[bflag:$0x0] =	sbarrier.arrive $0xFFFF  }
0x10f: {  	_ =	strace $0x9000004A  }
0x110: {  	s0 =	stileid.u32;
	[bflag:$0x2] =	sbarrier.arrive $0xFFFF  }
0x111: {  	p0 =	sne.s32 s0, $0x0;
	s0 =	rddreg [dreg:$0x4]  }
0x112: {  	s0 =	sadd.s32 @!p0 $0x100000, s0  }
0x113: {  	[sflag:s0] =	ssyncadd.tile.s32 @!p0 $0x1;
	_ =	shalt  }
.Lfunc_end2:
_tile_overlayer_lowered:
.L_overlay_start_2:
0x114: {  	(tag) =	ssettag $0x2  }
0x115: {  	s0 =	rddreg [dreg:$0x0];
	s2 =	stileid.u32  }
0x116: {  	s1 =	rddreg [dreg:$0x1];
	p0 =	sne.s32 s2, $0x0  }
0x117: {  	s3 =	rddreg [dreg:$0x2];
	[bflag:$0x3] =	sbarrier.arrive $0xFFFF;
	s2 =	simm.s32 @!p0 $0x1C03  }
0x118: {  	[timem:s3], [sflag:s2] =	dma.local @!p0 [hbm:s0], s1  }
0x119: {  	s0 =	simm.s32 @!p0 $0x3  }
0x11a: {  	_ =	swait.ge @!p0 [sflag:s0], s1  }
0x11b: {  	s1 =	ssub.s32 @!p0 $0x0, s1;
	[sflag:s0] =	ssyncset.done @!p0 $0x0  }
0x11c: {  	[sflag:s0] =	ssyncadd.s32 @!p0 s1  }
0x11d: {  	[bflag:$0x3] =	sbarrier.arrive $0xFFFF  }
0x11e: {  	_ =	shalt  }

</sc_bundles>
